<compile_context>
chip_gen: v7x
topology: tpu7x:2x2x1
jax: 0.10.2.dev20260603
libtpu: 0.0.44.dev20260713+nightly
codegen_flags: <defaults>
</compile_context>

<pallas_src>
import functools

import jax
import jax.numpy as jnp
from jax import lax
from jax.experimental import pallas as pl
from jax.experimental.pallas import tpu as pltpu
from jax.experimental.pallas import tpu_sc as plsc

_NC = 2
_NS = 16
_NW = _NC * _NS
_NBUF = 5
_SPLIT = 2


def _sc_gather(xt, table):
    l, b = xt.shape
    d = table.shape[1]
    bw = b // _NW
    cw = bw // _SPLIT
    n_chunks = l * _SPLIT
    n_groups = n_chunks // _NBUF
    mesh = plsc.VectorSubcoreMesh(core_axis_name="c", subcore_axis_name="s")

    @functools.partial(
        pl.kernel,
        out_type=jax.ShapeDtypeStruct((l, b, d), jnp.float32),
        mesh=mesh,
        scratch_types=[
            pltpu.VMEM((l, bw), jnp.int32),
            [pltpu.VMEM((cw, d), jnp.float32) for _ in range(_NBUF)],
            [pltpu.SemaphoreType.DMA for _ in range(_NBUF)],
            [pltpu.SemaphoreType.DMA for _ in range(_NBUF)],
        ],
    )
    def k(xt_hbm, tab_hbm, out_hbm, idx_v, bufs, gsems, osems):
        wid = lax.axis_index("s") * _NC + lax.axis_index("c")
        b0 = wid * bw
        pltpu.sync_copy(xt_hbm.at[:, pl.ds(b0, bw)], idx_v)

        def idx_ref(j):
            return idx_v.at[j // _SPLIT, pl.ds((j % _SPLIT) * cw, cw)]

        def gather_start(j, bi):
            pltpu.async_copy(tab_hbm.at[idx_ref(j)], bufs[bi], gsems[bi])

        def gather_wait(j, bi):
            pltpu.make_async_copy(tab_hbm.at[idx_ref(j)], bufs[bi], gsems[bi]).wait()

        def out_ref(j):
            return out_hbm.at[j // _SPLIT, pl.ds(b0 + (j % _SPLIT) * cw, cw)]

        for bi in range(_NBUF):
            gather_start(bi, bi)

        @pl.loop(0, n_groups)
        def _(g):
            j0 = g * _NBUF
            for bi in range(_NBUF):
                gather_wait(j0 + bi, bi)
                pltpu.async_copy(bufs[bi], out_ref(j0 + bi), osems[bi])

            @pl.when(g < n_groups - 1)
            def _():
                for bi in range(_NBUF):
                    pltpu.make_async_copy(
                        bufs[bi], out_ref(j0 + bi), osems[bi]
                    ).wait()
                    gather_start(j0 + _NBUF + bi, bi)

        for bi in range(_NBUF):
            j = (n_groups - 1) * _NBUF + bi
            pltpu.make_async_copy(bufs[bi], out_ref(j), osems[bi]).wait()

    return k(xt, table)


def kernel(x, embedding_weight):
    out_lbd = _sc_gather(x.T, embedding_weight)
    return jnp.transpose(out_lbd, (1, 0, 2))

# --- scband reference (transcript-rebuilt; emitter-appended) ---
"""Pipeline reference for scband-graph-embedding-84061099917499 (READ-ONLY COPY).

The authoritative reference and input builder live on the scoring server;
editing this copy changes nothing except your own understanding.
"""

import jax, jax.numpy as jnp
import numpy as np

VOCAB = 100000
DIM = 128
B = 4096
L = 50


def setup_inputs(seed: int = 0) -> dict:
    key = jax.random.key(seed)
    k1, k2 = jax.random.split(key)
    # medical-code indices into the pretrained graph-embedding table
    x = jax.random.randint(k1, (B, L), 0, VOCAB, dtype=jnp.int32)
    # pretrained graph embedding table (from_pretrained), padding_idx=0 -> row 0 is zeros
    embedding_weight = jax.random.normal(k2, (VOCAB, DIM), dtype=jnp.float32)
    embedding_weight = embedding_weight.at[0].set(0.0)
    return {"x": x, "embedding_weight": embedding_weight}


def reference(x, embedding_weight):
    # GraphEmbedding.forward: x = self.embedding(x)  (nn.Embedding lookup)
    return jnp.take(embedding_weight, x, axis=0)

if __name__ == "__main__":
    import jax
    _d = setup_inputs()
    print(jax.jit(kernel)(*tuple(_d.values())))

</pallas_src>

<mosaic_0001>
#map = affine_map<(d0, d1) -> (0, 0)>
#map1 = affine_map<(d0, d1) -> (0, 0, 0)>
module attributes {stable_mosaic.version = 14 : i64} {
  func.func @k(%arg0: i32, %arg1: i32, %arg2: memref<50x4096xi32, #tpu.memory_space<hbm>>, %arg3: memref<100000x128xf32, #tpu.memory_space<hbm>>, %arg4: memref<50x4096x128xf32, #tpu.memory_space<hbm>>, %arg5: memref<50x128xi32, #tpu.memory_space<vmem>>, %arg6: memref<64x128xf32, #tpu.memory_space<vmem>>, %arg7: memref<64x128xf32, #tpu.memory_space<vmem>>, %arg8: memref<64x128xf32, #tpu.memory_space<vmem>>, %arg9: memref<64x128xf32, #tpu.memory_space<vmem>>, %arg10: memref<64x128xf32, #tpu.memory_space<vmem>>, %arg11: memref<!tpu.dma_semaphore, #tpu.memory_space<semaphore_mem>>, %arg12: memref<!tpu.dma_semaphore, #tpu.memory_space<semaphore_mem>>, %arg13: memref<!tpu.dma_semaphore, #tpu.memory_space<semaphore_mem>>, %arg14: memref<!tpu.dma_semaphore, #tpu.memory_space<semaphore_mem>>, %arg15: memref<!tpu.dma_semaphore, #tpu.memory_space<semaphore_mem>>, %arg16: memref<!tpu.dma_semaphore, #tpu.memory_space<semaphore_mem>>, %arg17: memref<!tpu.dma_semaphore, #tpu.memory_space<semaphore_mem>>, %arg18: memref<!tpu.dma_semaphore, #tpu.memory_space<semaphore_mem>>, %arg19: memref<!tpu.dma_semaphore, #tpu.memory_space<semaphore_mem>>, %arg20: memref<!tpu.dma_semaphore, #tpu.memory_space<semaphore_mem>>) attributes {dimension_semantics = [#tpu.dimension_semantics<core_parallel>, #tpu.dimension_semantics<subcore_parallel>], iteration_bounds = array<i64: 2, 16>, scalar_prefetch = 0 : i64, scratch_operands = 16 : i64, tpu.core_type = #tpu.core_type<sc_vector_subcore>, window_params = [{transform_indices = #map}, {transform_indices = #map}, {transform_indices = #map1}]} {
    %mul3A = arith.constant 2 : i32
    %mul3A_0 = arith.muli %arg1, %mul3A : i32
    %add3A = arith.addi %mul3A_0, %arg0 : i32
    %mul3A_1 = arith.constant 128 : i32
    %mul3A_2 = arith.muli %add3A, %mul3A_1 : i32
    "tpu.region"() ({
      %run_scoped3A = tpu.sem_alloc : memref<!tpu.dma_semaphore, #tpu.memory_space<semaphore_mem>>
      %dma_start3A_85 = arith.constant 0 : i32
      %dma_start3A_86 = tpu.memref_slice %arg2[%dma_start3A_85, %mul3A_2] : memref<50x4096xi32, #tpu.memory_space<hbm>> -> memref<50x128xi32, #tpu.memory_space<hbm>>
      %dma_start3A_87 = arith.constant 0 : i32
      %dma_start3A_88 = tpu.memref_slice %arg2[%dma_start3A_87, %mul3A_2] : memref<50x4096xi32, #tpu.memory_space<hbm>> -> memref<50x128xi32, #tpu.memory_space<hbm>>
      tpu.enqueue_dma source(%dma_start3A_88 : memref<50x128xi32, #tpu.memory_space<hbm>>) target(%arg5 : memref<50x128xi32, #tpu.memory_space<vmem>>) target_semaphore(%run_scoped3A : memref<!tpu.dma_semaphore, #tpu.memory_space<semaphore_mem>>)
      %dma_wait3A_89 = arith.constant 0 : i32
      %dma_wait3A_90 = tpu.memref_slice %arg2[%dma_wait3A_89, %mul3A_2] : memref<50x4096xi32, #tpu.memory_space<hbm>> -> memref<50x128xi32, #tpu.memory_space<hbm>>
      %dma_wait3A_91 = arith.constant 0 : i32
      %dma_wait3A_92 = tpu.memref_slice %arg2[%dma_wait3A_91, %mul3A_2] : memref<50x4096xi32, #tpu.memory_space<hbm>> -> memref<50x128xi32, #tpu.memory_space<hbm>>
      tpu.wait_dma2 semaphore(%run_scoped3A : memref<!tpu.dma_semaphore, #tpu.memory_space<semaphore_mem>>) src(%dma_wait3A_92 : memref<50x128xi32, #tpu.memory_space<hbm>>) dst(%arg5 : memref<50x128xi32, #tpu.memory_space<vmem>>)
      tpu.yield
    }) : () -> ()
    %dma_start3A = arith.constant 0 : i32
    %dma_start3A_3 = arith.constant 0 : i32
    %dma_start3A_4 = tpu.memref_slice %arg5[%dma_start3A, %dma_start3A_3] : memref<50x128xi32, #tpu.memory_space<vmem>> -> memref<1x64xi32, #tpu.memory_space<vmem>>
    %dma_start3A_5 = tpu.memref_squeeze %dma_start3A_4 : memref<1x64xi32, #tpu.memory_space<vmem>> -> memref<64xi32, #tpu.memory_space<vmem>>
    %dma_start3A_6 = arith.constant 0 : i32
    %dma_start3A_7 = arith.constant 0 : i32
    %dma_start3A_8 = tpu.memref_slice %arg3[%dma_start3A_6, %dma_start3A_7] : memref<100000x128xf32, #tpu.memory_space<hbm>> -> memref<100000x128xf32, #tpu.memory_space<hbm>>
    tpu.enqueue_indirect_dma source(%dma_start3A_8 : memref<100000x128xf32, #tpu.memory_space<hbm>>) target(%arg6 : memref<64x128xf32, #tpu.memory_space<vmem>>) offsets(%dma_start3A_5 : memref<64xi32, #tpu.memory_space<vmem>>) semaphore(%arg11 : memref<!tpu.dma_semaphore, #tpu.memory_space<semaphore_mem>>)
    %dma_start3A_9 = arith.constant 0 : i32
    %dma_start3A_10 = arith.constant 64 : i32
    %dma_start3A_11 = tpu.memref_slice %arg5[%dma_start3A_9, %dma_start3A_10] : memref<50x128xi32, #tpu.memory_space<vmem>> -> memref<1x64xi32, #tpu.memory_space<vmem>>
    %dma_start3A_12 = tpu.memref_squeeze %dma_start3A_11 : memref<1x64xi32, #tpu.memory_space<vmem>> -> memref<64xi32, #tpu.memory_space<vmem>>
    %dma_start3A_13 = arith.constant 0 : i32
    %dma_start3A_14 = arith.constant 0 : i32
    %dma_start3A_15 = tpu.memref_slice %arg3[%dma_start3A_13, %dma_start3A_14] : memref<100000x128xf32, #tpu.memory_space<hbm>> -> memref<100000x128xf32, #tpu.memory_space<hbm>>
    tpu.enqueue_indirect_dma source(%dma_start3A_15 : memref<100000x128xf32, #tpu.memory_space<hbm>>) target(%arg7 : memref<64x128xf32, #tpu.memory_space<vmem>>) offsets(%dma_start3A_12 : memref<64xi32, #tpu.memory_space<vmem>>) semaphore(%arg12 : memref<!tpu.dma_semaphore, #tpu.memory_space<semaphore_mem>>)
    %dma_start3A_16 = arith.constant 1 : i32
    %dma_start3A_17 = arith.constant 0 : i32
    %dma_start3A_18 = tpu.memref_slice %arg5[%dma_start3A_16, %dma_start3A_17] : memref<50x128xi32, #tpu.memory_space<vmem>> -> memref<1x64xi32, #tpu.memory_space<vmem>>
    %dma_start3A_19 = tpu.memref_squeeze %dma_start3A_18 : memref<1x64xi32, #tpu.memory_space<vmem>> -> memref<64xi32, #tpu.memory_space<vmem>>
    %dma_start3A_20 = arith.constant 0 : i32
    %dma_start3A_21 = arith.constant 0 : i32
    %dma_start3A_22 = tpu.memref_slice %arg3[%dma_start3A_20, %dma_start3A_21] : memref<100000x128xf32, #tpu.memory_space<hbm>> -> memref<100000x128xf32, #tpu.memory_space<hbm>>
    tpu.enqueue_indirect_dma source(%dma_start3A_22 : memref<100000x128xf32, #tpu.memory_space<hbm>>) target(%arg8 : memref<64x128xf32, #tpu.memory_space<vmem>>) offsets(%dma_start3A_19 : memref<64xi32, #tpu.memory_space<vmem>>) semaphore(%arg13 : memref<!tpu.dma_semaphore, #tpu.memory_space<semaphore_mem>>)
    %dma_start3A_23 = arith.constant 1 : i32
    %dma_start3A_24 = arith.constant 64 : i32
    %dma_start3A_25 = tpu.memref_slice %arg5[%dma_start3A_23, %dma_start3A_24] : memref<50x128xi32, #tpu.memory_space<vmem>> -> memref<1x64xi32, #tpu.memory_space<vmem>>
    %dma_start3A_26 = tpu.memref_squeeze %dma_start3A_25 : memref<1x64xi32, #tpu.memory_space<vmem>> -> memref<64xi32, #tpu.memory_space<vmem>>
    %dma_start3A_27 = arith.constant 0 : i32
    %dma_start3A_28 = arith.constant 0 : i32
    %dma_start3A_29 = tpu.memref_slice %arg3[%dma_start3A_27, %dma_start3A_28] : memref<100000x128xf32, #tpu.memory_space<hbm>> -> memref<100000x128xf32, #tpu.memory_space<hbm>>
    tpu.enqueue_indirect_dma source(%dma_start3A_29 : memref<100000x128xf32, #tpu.memory_space<hbm>>) target(%arg9 : memref<64x128xf32, #tpu.memory_space<vmem>>) offsets(%dma_start3A_26 : memref<64xi32, #tpu.memory_space<vmem>>) semaphore(%arg14 : memref<!tpu.dma_semaphore, #tpu.memory_space<semaphore_mem>>)
    %dma_start3A_30 = arith.constant 2 : i32
    %dma_start3A_31 = arith.constant 0 : i32
    %dma_start3A_32 = tpu.memref_slice %arg5[%dma_start3A_30, %dma_start3A_31] : memref<50x128xi32, #tpu.memory_space<vmem>> -> memref<1x64xi32, #tpu.memory_space<vmem>>
    %dma_start3A_33 = tpu.memref_squeeze %dma_start3A_32 : memref<1x64xi32, #tpu.memory_space<vmem>> -> memref<64xi32, #tpu.memory_space<vmem>>
    %dma_start3A_34 = arith.constant 0 : i32
    %dma_start3A_35 = arith.constant 0 : i32
    %dma_start3A_36 = tpu.memref_slice %arg3[%dma_start3A_34, %dma_start3A_35] : memref<100000x128xf32, #tpu.memory_space<hbm>> -> memref<100000x128xf32, #tpu.memory_space<hbm>>
    tpu.enqueue_indirect_dma source(%dma_start3A_36 : memref<100000x128xf32, #tpu.memory_space<hbm>>) target(%arg10 : memref<64x128xf32, #tpu.memory_space<vmem>>) offsets(%dma_start3A_33 : memref<64xi32, #tpu.memory_space<vmem>>) semaphore(%arg15 : memref<!tpu.dma_semaphore, #tpu.memory_space<semaphore_mem>>)
    %scan3A = arith.constant 0 : i32
    %scan3A_37 = arith.constant 20 : i32
    %scan3A_38 = arith.addi %scan3A, %scan3A_37 : i32
    %scan3A_39 = arith.constant 1 : i32
    scf.for %scan3A_85 = %scan3A to %scan3A_38 step %scan3A_39  : i32 {
      %mul3A_86 = arith.constant 1 : i32
      %mul3A_87 = arith.muli %scan3A_85, %mul3A_86 : i32
      %add3A_88 = arith.constant 0 : i32
      %add3A_89 = arith.addi %add3A_88, %mul3A_87 : i32
      %mul3A_90 = arith.constant 5 : i32
      %mul3A_91 = arith.muli %add3A_89, %mul3A_90 : i32
      %add3A_92 = arith.constant 0 : i32
      %add3A_93 = arith.addi %mul3A_91, %add3A_92 : i32
      %jit3A = arith.constant 2 : i32
      %div3A = arith.divsi %add3A_93, %jit3A : i32
      %sign3A = arith.constant 0 : i32
      %sign3A_94 = arith.cmpi sgt, %add3A_93, %sign3A : i32
      %sign3A_95 = arith.extui %sign3A_94 : i1 to i32
      %sign3A_96 = arith.constant 0 : i32
      %sign3A_97 = arith.cmpi slt, %add3A_93, %sign3A_96 : i32
      %sign3A_98 = arith.extui %sign3A_97 : i1 to i32
      %sign3A_99 = arith.subi %sign3A_95, %sign3A_98 : i32
      %sign3A_100 = arith.constant 0 : i32
      %sign3A_101 = arith.cmpi sgt, %jit3A, %sign3A_100 : i32
      %sign3A_102 = arith.extui %sign3A_101 : i1 to i32
      %sign3A_103 = arith.constant 0 : i32
      %sign3A_104 = arith.cmpi slt, %jit3A, %sign3A_103 : i32
      %sign3A_105 = arith.extui %sign3A_104 : i1 to i32
      %sign3A_106 = arith.subi %sign3A_102, %sign3A_105 : i32
      %ne3A = arith.cmpi ne, %sign3A_99, %sign3A_106 : i32
      %rem3A = arith.remsi %add3A_93, %jit3A : i32
      %ne3A_107 = arith.constant 0 : i32
      %ne3A_108 = arith.cmpi ne, %rem3A, %ne3A_107 : i32
      %and3A = arith.andi %ne3A, %ne3A_108 : i1
      %sub3A = arith.constant 1 : i32
      %sub3A_109 = arith.subi %div3A, %sub3A : i32
      %select_n3A = arith.select %and3A, %sub3A_109, %div3A : i32
      %jit3A_110 = arith.constant 2 : i32
      %eq3A = arith.constant 0 : i32
      %eq3A_111 = arith.cmpi eq, %jit3A_110, %eq3A : i32
      %jit3A_112 = arith.constant 1 : i32
      %select_n3A_113 = arith.select %eq3A_111, %jit3A_112, %jit3A_110 : i32
      %rem3A_114 = arith.remsi %add3A_93, %select_n3A_113 : i32
      %ne3A_115 = arith.constant 0 : i32
      %ne3A_116 = arith.cmpi ne, %rem3A_114, %ne3A_115 : i32
      %lt3A = arith.constant 0 : i32
      %lt3A_117 = arith.cmpi slt, %rem3A_114, %lt3A : i32
      %lt3A_118 = arith.constant 0 : i32
      %lt3A_119 = arith.cmpi slt, %select_n3A_113, %lt3A_118 : i32
      %ne3A_120 = arith.xori %lt3A_117, %lt3A_119 : i1
      %and3A_121 = arith.andi %ne3A_120, %ne3A_116 : i1
      %add3A_122 = arith.addi %rem3A_114, %select_n3A_113 : i32
      %select_n3A_123 = arith.select %and3A_121, %add3A_122, %rem3A_114 : i32
      %mul3A_124 = arith.constant 64 : i32
      %mul3A_125 = arith.muli %select_n3A_123, %mul3A_124 : i32
      %dma_wait3A_126 = tpu.memref_slice %arg5[%select_n3A, %mul3A_125] : memref<50x128xi32, #tpu.memory_space<vmem>> -> memref<1x64xi32, #tpu.memory_space<vmem>>
      %dma_wait3A_127 = tpu.memref_squeeze %dma_wait3A_126 : memref<1x64xi32, #tpu.memory_space<vmem>> -> memref<64xi32, #tpu.memory_space<vmem>>
      %dma_wait3A_128 = arith.constant 0 : i32
      %dma_wait3A_129 = arith.constant 0 : i32
      %dma_wait3A_130 = tpu.memref_slice %arg3[%dma_wait3A_128, %dma_wait3A_129] : memref<100000x128xf32, #tpu.memory_space<hbm>> -> memref<100000x128xf32, #tpu.memory_space<hbm>>
      tpu.wait_indirect_dma semaphore(%arg11 : memref<!tpu.dma_semaphore, #tpu.memory_space<semaphore_mem>>) src(%dma_wait3A_130 : memref<100000x128xf32, #tpu.memory_space<hbm>>) dst(%arg6 : memref<64x128xf32, #tpu.memory_space<vmem>>)
      %add3A_131 = arith.constant 0 : i32
      %add3A_132 = arith.addi %mul3A_91, %add3A_131 : i32
      %jit3A_133 = arith.constant 2 : i32
      %div3A_134 = arith.divsi %add3A_132, %jit3A_133 : i32
      %sign3A_135 = arith.constant 0 : i32
      %sign3A_136 = arith.cmpi sgt, %add3A_132, %sign3A_135 : i32
      %sign3A_137 = arith.extui %sign3A_136 : i1 to i32
      %sign3A_138 = arith.constant 0 : i32
      %sign3A_139 = arith.cmpi slt, %add3A_132, %sign3A_138 : i32
      %sign3A_140 = arith.extui %sign3A_139 : i1 to i32
      %sign3A_141 = arith.subi %sign3A_137, %sign3A_140 : i32
      %sign3A_142 = arith.constant 0 : i32
      %sign3A_143 = arith.cmpi sgt, %jit3A_133, %sign3A_142 : i32
      %sign3A_144 = arith.extui %sign3A_143 : i1 to i32
      %sign3A_145 = arith.constant 0 : i32
      %sign3A_146 = arith.cmpi slt, %jit3A_133, %sign3A_145 : i32
      %sign3A_147 = arith.extui %sign3A_146 : i1 to i32
      %sign3A_148 = arith.subi %sign3A_144, %sign3A_147 : i32
      %ne3A_149 = arith.cmpi ne, %sign3A_141, %sign3A_148 : i32
      %rem3A_150 = arith.remsi %add3A_132, %jit3A_133 : i32
      %ne3A_151 = arith.constant 0 : i32
      %ne3A_152 = arith.cmpi ne, %rem3A_150, %ne3A_151 : i32
      %and3A_153 = arith.andi %ne3A_149, %ne3A_152 : i1
      %sub3A_154 = arith.constant 1 : i32
      %sub3A_155 = arith.subi %div3A_134, %sub3A_154 : i32
      %select_n3A_156 = arith.select %and3A_153, %sub3A_155, %div3A_134 : i32
      %jit3A_157 = arith.constant 2 : i32
      %eq3A_158 = arith.constant 0 : i32
      %eq3A_159 = arith.cmpi eq, %jit3A_157, %eq3A_158 : i32
      %jit3A_160 = arith.constant 1 : i32
      %select_n3A_161 = arith.select %eq3A_159, %jit3A_160, %jit3A_157 : i32
      %rem3A_162 = arith.remsi %add3A_132, %select_n3A_161 : i32
      %ne3A_163 = arith.constant 0 : i32
      %ne3A_164 = arith.cmpi ne, %rem3A_162, %ne3A_163 : i32
      %lt3A_165 = arith.constant 0 : i32
      %lt3A_166 = arith.cmpi slt, %rem3A_162, %lt3A_165 : i32
      %lt3A_167 = arith.constant 0 : i32
      %lt3A_168 = arith.cmpi slt, %select_n3A_161, %lt3A_167 : i32
      %ne3A_169 = arith.xori %lt3A_166, %lt3A_168 : i1
      %and3A_170 = arith.andi %ne3A_169, %ne3A_164 : i1
      %add3A_171 = arith.addi %rem3A_162, %select_n3A_161 : i32
      %select_n3A_172 = arith.select %and3A_170, %add3A_171, %rem3A_162 : i32
      %mul3A_173 = arith.constant 64 : i32
      %mul3A_174 = arith.muli %select_n3A_172, %mul3A_173 : i32
      %add3A_175 = arith.addi %mul3A_2, %mul3A_174 : i32
      %dma_start3A_176 = arith.constant 0 : i32
      %dma_start3A_177 = tpu.memref_slice %arg4[%select_n3A_156, %add3A_175, %dma_start3A_176] : memref<50x4096x128xf32, #tpu.memory_space<hbm>> -> memref<1x64x128xf32, #tpu.memory_space<hbm>>
      %dma_start3A_178 = tpu.memref_squeeze %dma_start3A_177 : memref<1x64x128xf32, #tpu.memory_space<hbm>> -> memref<64x128xf32, #tpu.memory_space<hbm>>
      %dma_start3A_179 = arith.constant 0 : i32
      %dma_start3A_180 = tpu.memref_slice %arg4[%select_n3A_156, %add3A_175, %dma_start3A_179] : memref<50x4096x128xf32, #tpu.memory_space<hbm>> -> memref<1x64x128xf32, #tpu.memory_space<hbm>>
      %dma_start3A_181 = tpu.memref_squeeze %dma_start3A_180 : memref<1x64x128xf32, #tpu.memory_space<hbm>> -> memref<64x128xf32, #tpu.memory_space<hbm>>
      tpu.enqueue_dma source(%arg6 : memref<64x128xf32, #tpu.memory_space<vmem>>) target(%dma_start3A_181 : memref<64x128xf32, #tpu.memory_space<hbm>>) target_semaphore(%arg16 : memref<!tpu.dma_semaphore, #tpu.memory_space<semaphore_mem>>)
      %add3A_182 = arith.constant 1 : i32
      %add3A_183 = arith.addi %mul3A_91, %add3A_182 : i32
      %jit3A_184 = arith.constant 2 : i32
      %div3A_185 = arith.divsi %add3A_183, %jit3A_184 : i32
      %sign3A_186 = arith.constant 0 : i32
      %sign3A_187 = arith.cmpi sgt, %add3A_183, %sign3A_186 : i32
      %sign3A_188 = arith.extui %sign3A_187 : i1 to i32
      %sign3A_189 = arith.constant 0 : i32
      %sign3A_190 = arith.cmpi slt, %add3A_183, %sign3A_189 : i32
      %sign3A_191 = arith.extui %sign3A_190 : i1 to i32
      %sign3A_192 = arith.subi %sign3A_188, %sign3A_191 : i32
      %sign3A_193 = arith.constant 0 : i32
      %sign3A_194 = arith.cmpi sgt, %jit3A_184, %sign3A_193 : i32
      %sign3A_195 = arith.extui %sign3A_194 : i1 to i32
      %sign3A_196 = arith.constant 0 : i32
      %sign3A_197 = arith.cmpi slt, %jit3A_184, %sign3A_196 : i32
      %sign3A_198 = arith.extui %sign3A_197 : i1 to i32
      %sign3A_199 = arith.subi %sign3A_195, %sign3A_198 : i32
      %ne3A_200 = arith.cmpi ne, %sign3A_192, %sign3A_199 : i32
      %rem3A_201 = arith.remsi %add3A_183, %jit3A_184 : i32
      %ne3A_202 = arith.constant 0 : i32
      %ne3A_203 = arith.cmpi ne, %rem3A_201, %ne3A_202 : i32
      %and3A_204 = arith.andi %ne3A_200, %ne3A_203 : i1
      %sub3A_205 = arith.constant 1 : i32
      %sub3A_206 = arith.subi %div3A_185, %sub3A_205 : i32
      %select_n3A_207 = arith.select %and3A_204, %sub3A_206, %div3A_185 : i32
      %jit3A_208 = arith.constant 2 : i32
      %eq3A_209 = arith.constant 0 : i32
      %eq3A_210 = arith.cmpi eq, %jit3A_208, %eq3A_209 : i32
      %jit3A_211 = arith.constant 1 : i32
      %select_n3A_212 = arith.select %eq3A_210, %jit3A_211, %jit3A_208 : i32
      %rem3A_213 = arith.remsi %add3A_183, %select_n3A_212 : i32
      %ne3A_214 = arith.constant 0 : i32
      %ne3A_215 = arith.cmpi ne, %rem3A_213, %ne3A_214 : i32
      %lt3A_216 = arith.constant 0 : i32
      %lt3A_217 = arith.cmpi slt, %rem3A_213, %lt3A_216 : i32
      %lt3A_218 = arith.constant 0 : i32
      %lt3A_219 = arith.cmpi slt, %select_n3A_212, %lt3A_218 : i32
      %ne3A_220 = arith.xori %lt3A_217, %lt3A_219 : i1
      %and3A_221 = arith.andi %ne3A_220, %ne3A_215 : i1
      %add3A_222 = arith.addi %rem3A_213, %select_n3A_212 : i32
      %select_n3A_223 = arith.select %and3A_221, %add3A_222, %rem3A_213 : i32
      %mul3A_224 = arith.constant 64 : i32
      %mul3A_225 = arith.muli %select_n3A_223, %mul3A_224 : i32
      %dma_wait3A_226 = tpu.memref_slice %arg5[%select_n3A_207, %mul3A_225] : memref<50x128xi32, #tpu.memory_space<vmem>> -> memref<1x64xi32, #tpu.memory_space<vmem>>
      %dma_wait3A_227 = tpu.memref_squeeze %dma_wait3A_226 : memref<1x64xi32, #tpu.memory_space<vmem>> -> memref<64xi32, #tpu.memory_space<vmem>>
      %dma_wait3A_228 = arith.constant 0 : i32
      %dma_wait3A_229 = arith.constant 0 : i32
      %dma_wait3A_230 = tpu.memref_slice %arg3[%dma_wait3A_228, %dma_wait3A_229] : memref<100000x128xf32, #tpu.memory_space<hbm>> -> memref<100000x128xf32, #tpu.memory_space<hbm>>
      tpu.wait_indirect_dma semaphore(%arg12 : memref<!tpu.dma_semaphore, #tpu.memory_space<semaphore_mem>>) src(%dma_wait3A_230 : memref<100000x128xf32, #tpu.memory_space<hbm>>) dst(%arg7 : memref<64x128xf32, #tpu.memory_space<vmem>>)
      %add3A_231 = arith.constant 1 : i32
      %add3A_232 = arith.addi %mul3A_91, %add3A_231 : i32
      %jit3A_233 = arith.constant 2 : i32
      %div3A_234 = arith.divsi %add3A_232, %jit3A_233 : i32
      %sign3A_235 = arith.constant 0 : i32
      %sign3A_236 = arith.cmpi sgt, %add3A_232, %sign3A_235 : i32
      %sign3A_237 = arith.extui %sign3A_236 : i1 to i32
      %sign3A_238 = arith.constant 0 : i32
      %sign3A_239 = arith.cmpi slt, %add3A_232, %sign3A_238 : i32
      %sign3A_240 = arith.extui %sign3A_239 : i1 to i32
      %sign3A_241 = arith.subi %sign3A_237, %sign3A_240 : i32
      %sign3A_242 = arith.constant 0 : i32
      %sign3A_243 = arith.cmpi sgt, %jit3A_233, %sign3A_242 : i32
      %sign3A_244 = arith.extui %sign3A_243 : i1 to i32
      %sign3A_245 = arith.constant 0 : i32
      %sign3A_246 = arith.cmpi slt, %jit3A_233, %sign3A_245 : i32
      %sign3A_247 = arith.extui %sign3A_246 : i1 to i32
      %sign3A_248 = arith.subi %sign3A_244, %sign3A_247 : i32
      %ne3A_249 = arith.cmpi ne, %sign3A_241, %sign3A_248 : i32
      %rem3A_250 = arith.remsi %add3A_232, %jit3A_233 : i32
      %ne3A_251 = arith.constant 0 : i32
      %ne3A_252 = arith.cmpi ne, %rem3A_250, %ne3A_251 : i32
      %and3A_253 = arith.andi %ne3A_249, %ne3A_252 : i1
      %sub3A_254 = arith.constant 1 : i32
      %sub3A_255 = arith.subi %div3A_234, %sub3A_254 : i32
      %select_n3A_256 = arith.select %and3A_253, %sub3A_255, %div3A_234 : i32
      %jit3A_257 = arith.constant 2 : i32
      %eq3A_258 = arith.constant 0 : i32
      %eq3A_259 = arith.cmpi eq, %jit3A_257, %eq3A_258 : i32
      %jit3A_260 = arith.constant 1 : i32
      %select_n3A_261 = arith.select %eq3A_259, %jit3A_260, %jit3A_257 : i32
      %rem3A_262 = arith.remsi %add3A_232, %select_n3A_261 : i32
      %ne3A_263 = arith.constant 0 : i32
      %ne3A_264 = arith.cmpi ne, %rem3A_262, %ne3A_263 : i32
      %lt3A_265 = arith.constant 0 : i32
      %lt3A_266 = arith.cmpi slt, %rem3A_262, %lt3A_265 : i32
      %lt3A_267 = arith.constant 0 : i32
      %lt3A_268 = arith.cmpi slt, %select_n3A_261, %lt3A_267 : i32
      %ne3A_269 = arith.xori %lt3A_266, %lt3A_268 : i1
      %and3A_270 = arith.andi %ne3A_269, %ne3A_264 : i1
      %add3A_271 = arith.addi %rem3A_262, %select_n3A_261 : i32
      %select_n3A_272 = arith.select %and3A_270, %add3A_271, %rem3A_262 : i32
      %mul3A_273 = arith.constant 64 : i32
      %mul3A_274 = arith.muli %select_n3A_272, %mul3A_273 : i32
      %add3A_275 = arith.addi %mul3A_2, %mul3A_274 : i32
      %dma_start3A_276 = arith.constant 0 : i32
      %dma_start3A_277 = tpu.memref_slice %arg4[%select_n3A_256, %add3A_275, %dma_start3A_276] : memref<50x4096x128xf32, #tpu.memory_space<hbm>> -> memref<1x64x128xf32, #tpu.memory_space<hbm>>
      %dma_start3A_278 = tpu.memref_squeeze %dma_start3A_277 : memref<1x64x128xf32, #tpu.memory_space<hbm>> -> memref<64x128xf32, #tpu.memory_space<hbm>>
      %dma_start3A_279 = arith.constant 0 : i32
      %dma_start3A_280 = tpu.memref_slice %arg4[%select_n3A_256, %add3A_275, %dma_start3A_279] : memref<50x4096x128xf32, #tpu.memory_space<hbm>> -> memref<1x64x128xf32, #tpu.memory_space<hbm>>
      %dma_start3A_281 = tpu.memref_squeeze %dma_start3A_280 : memref<1x64x128xf32, #tpu.memory_space<hbm>> -> memref<64x128xf32, #tpu.memory_space<hbm>>
      tpu.enqueue_dma source(%arg7 : memref<64x128xf32, #tpu.memory_space<vmem>>) target(%dma_start3A_281 : memref<64x128xf32, #tpu.memory_space<hbm>>) target_semaphore(%arg17 : memref<!tpu.dma_semaphore, #tpu.memory_space<semaphore_mem>>)
      %add3A_282 = arith.constant 2 : i32
      %add3A_283 = arith.addi %mul3A_91, %add3A_282 : i32
      %jit3A_284 = arith.constant 2 : i32
      %div3A_285 = arith.divsi %add3A_283, %jit3A_284 : i32
      %sign3A_286 = arith.constant 0 : i32
      %sign3A_287 = arith.cmpi sgt, %add3A_283, %sign3A_286 : i32
      %sign3A_288 = arith.extui %sign3A_287 : i1 to i32
      %sign3A_289 = arith.constant 0 : i32
      %sign3A_290 = arith.cmpi slt, %add3A_283, %sign3A_289 : i32
      %sign3A_291 = arith.extui %sign3A_290 : i1 to i32
      %sign3A_292 = arith.subi %sign3A_288, %sign3A_291 : i32
      %sign3A_293 = arith.constant 0 : i32
      %sign3A_294 = arith.cmpi sgt, %jit3A_284, %sign3A_293 : i32
      %sign3A_295 = arith.extui %sign3A_294 : i1 to i32
      %sign3A_296 = arith.constant 0 : i32
      %sign3A_297 = arith.cmpi slt, %jit3A_284, %sign3A_296 : i32
      %sign3A_298 = arith.extui %sign3A_297 : i1 to i32
      %sign3A_299 = arith.subi %sign3A_295, %sign3A_298 : i32
      %ne3A_300 = arith.cmpi ne, %sign3A_292, %sign3A_299 : i32
      %rem3A_301 = arith.remsi %add3A_283, %jit3A_284 : i32
      %ne3A_302 = arith.constant 0 : i32
      %ne3A_303 = arith.cmpi ne, %rem3A_301, %ne3A_302 : i32
      %and3A_304 = arith.andi %ne3A_300, %ne3A_303 : i1
      %sub3A_305 = arith.constant 1 : i32
      %sub3A_306 = arith.subi %div3A_285, %sub3A_305 : i32
      %select_n3A_307 = arith.select %and3A_304, %sub3A_306, %div3A_285 : i32
      %jit3A_308 = arith.constant 2 : i32
      %eq3A_309 = arith.constant 0 : i32
      %eq3A_310 = arith.cmpi eq, %jit3A_308, %eq3A_309 : i32
      %jit3A_311 = arith.constant 1 : i32
      %select_n3A_312 = arith.select %eq3A_310, %jit3A_311, %jit3A_308 : i32
      %rem3A_313 = arith.remsi %add3A_283, %select_n3A_312 : i32
      %ne3A_314 = arith.constant 0 : i32
      %ne3A_315 = arith.cmpi ne, %rem3A_313, %ne3A_314 : i32
      %lt3A_316 = arith.constant 0 : i32
      %lt3A_317 = arith.cmpi slt, %rem3A_313, %lt3A_316 : i32
      %lt3A_318 = arith.constant 0 : i32
      %lt3A_319 = arith.cmpi slt, %select_n3A_312, %lt3A_318 : i32
      %ne3A_320 = arith.xori %lt3A_317, %lt3A_319 : i1
      %and3A_321 = arith.andi %ne3A_320, %ne3A_315 : i1
      %add3A_322 = arith.addi %rem3A_313, %select_n3A_312 : i32
      %select_n3A_323 = arith.select %and3A_321, %add3A_322, %rem3A_313 : i32
      %mul3A_324 = arith.constant 64 : i32
      %mul3A_325 = arith.muli %select_n3A_323, %mul3A_324 : i32
      %dma_wait3A_326 = tpu.memref_slice %arg5[%select_n3A_307, %mul3A_325] : memref<50x128xi32, #tpu.memory_space<vmem>> -> memref<1x64xi32, #tpu.memory_space<vmem>>
      %dma_wait3A_327 = tpu.memref_squeeze %dma_wait3A_326 : memref<1x64xi32, #tpu.memory_space<vmem>> -> memref<64xi32, #tpu.memory_space<vmem>>
      %dma_wait3A_328 = arith.constant 0 : i32
      %dma_wait3A_329 = arith.constant 0 : i32
      %dma_wait3A_330 = tpu.memref_slice %arg3[%dma_wait3A_328, %dma_wait3A_329] : memref<100000x128xf32, #tpu.memory_space<hbm>> -> memref<100000x128xf32, #tpu.memory_space<hbm>>
      tpu.wait_indirect_dma semaphore(%arg13 : memref<!tpu.dma_semaphore, #tpu.memory_space<semaphore_mem>>) src(%dma_wait3A_330 : memref<100000x128xf32, #tpu.memory_space<hbm>>) dst(%arg8 : memref<64x128xf32, #tpu.memory_space<vmem>>)
      %add3A_331 = arith.constant 2 : i32
      %add3A_332 = arith.addi %mul3A_91, %add3A_331 : i32
      %jit3A_333 = arith.constant 2 : i32
      %div3A_334 = arith.divsi %add3A_332, %jit3A_333 : i32
      %sign3A_335 = arith.constant 0 : i32
      %sign3A_336 = arith.cmpi sgt, %add3A_332, %sign3A_335 : i32
      %sign3A_337 = arith.extui %sign3A_336 : i1 to i32
      %sign3A_338 = arith.constant 0 : i32
      %sign3A_339 = arith.cmpi slt, %add3A_332, %sign3A_338 : i32
      %sign3A_340 = arith.extui %sign3A_339 : i1 to i32
      %sign3A_341 = arith.subi %sign3A_337, %sign3A_340 : i32
      %sign3A_342 = arith.constant 0 : i32
      %sign3A_343 = arith.cmpi sgt, %jit3A_333, %sign3A_342 : i32
      %sign3A_344 = arith.extui %sign3A_343 : i1 to i32
      %sign3A_345 = arith.constant 0 : i32
      %sign3A_346 = arith.cmpi slt, %jit3A_333, %sign3A_345 : i32
      %sign3A_347 = arith.extui %sign3A_346 : i1 to i32
      %sign3A_348 = arith.subi %sign3A_344, %sign3A_347 : i32
      %ne3A_349 = arith.cmpi ne, %sign3A_341, %sign3A_348 : i32
      %rem3A_350 = arith.remsi %add3A_332, %jit3A_333 : i32
      %ne3A_351 = arith.constant 0 : i32
      %ne3A_352 = arith.cmpi ne, %rem3A_350, %ne3A_351 : i32
      %and3A_353 = arith.andi %ne3A_349, %ne3A_352 : i1
      %sub3A_354 = arith.constant 1 : i32
      %sub3A_355 = arith.subi %div3A_334, %sub3A_354 : i32
      %select_n3A_356 = arith.select %and3A_353, %sub3A_355, %div3A_334 : i32
      %jit3A_357 = arith.constant 2 : i32
      %eq3A_358 = arith.constant 0 : i32
      %eq3A_359 = arith.cmpi eq, %jit3A_357, %eq3A_358 : i32
      %jit3A_360 = arith.constant 1 : i32
      %select_n3A_361 = arith.select %eq3A_359, %jit3A_360, %jit3A_357 : i32
      %rem3A_362 = arith.remsi %add3A_332, %select_n3A_361 : i32
      %ne3A_363 = arith.constant 0 : i32
      %ne3A_364 = arith.cmpi ne, %rem3A_362, %ne3A_363 : i32
      %lt3A_365 = arith.constant 0 : i32
      %lt3A_366 = arith.cmpi slt, %rem3A_362, %lt3A_365 : i32
      %lt3A_367 = arith.constant 0 : i32
      %lt3A_368 = arith.cmpi slt, %select_n3A_361, %lt3A_367 : i32
      %ne3A_369 = arith.xori %lt3A_366, %lt3A_368 : i1
      %and3A_370 = arith.andi %ne3A_369, %ne3A_364 : i1
      %add3A_371 = arith.addi %rem3A_362, %select_n3A_361 : i32
      %select_n3A_372 = arith.select %and3A_370, %add3A_371, %rem3A_362 : i32
      %mul3A_373 = arith.constant 64 : i32
      %mul3A_374 = arith.muli %select_n3A_372, %mul3A_373 : i32
      %add3A_375 = arith.addi %mul3A_2, %mul3A_374 : i32
      %dma_start3A_376 = arith.constant 0 : i32
      %dma_start3A_377 = tpu.memref_slice %arg4[%select_n3A_356, %add3A_375, %dma_start3A_376] : memref<50x4096x128xf32, #tpu.memory_space<hbm>> -> memref<1x64x128xf32, #tpu.memory_space<hbm>>
      %dma_start3A_378 = tpu.memref_squeeze %dma_start3A_377 : memref<1x64x128xf32, #tpu.memory_space<hbm>> -> memref<64x128xf32, #tpu.memory_space<hbm>>
      %dma_start3A_379 = arith.constant 0 : i32
      %dma_start3A_380 = tpu.memref_slice %arg4[%select_n3A_356, %add3A_375, %dma_start3A_379] : memref<50x4096x128xf32, #tpu.memory_space<hbm>> -> memref<1x64x128xf32, #tpu.memory_space<hbm>>
      %dma_start3A_381 = tpu.memref_squeeze %dma_start3A_380 : memref<1x64x128xf32, #tpu.memory_space<hbm>> -> memref<64x128xf32, #tpu.memory_space<hbm>>
      tpu.enqueue_dma source(%arg8 : memref<64x128xf32, #tpu.memory_space<vmem>>) target(%dma_start3A_381 : memref<64x128xf32, #tpu.memory_space<hbm>>) target_semaphore(%arg18 : memref<!tpu.dma_semaphore, #tpu.memory_space<semaphore_mem>>)
      %add3A_382 = arith.constant 3 : i32
      %add3A_383 = arith.addi %mul3A_91, %add3A_382 : i32
      %jit3A_384 = arith.constant 2 : i32
      %div3A_385 = arith.divsi %add3A_383, %jit3A_384 : i32
      %sign3A_386 = arith.constant 0 : i32
      %sign3A_387 = arith.cmpi sgt, %add3A_383, %sign3A_386 : i32
      %sign3A_388 = arith.extui %sign3A_387 : i1 to i32
      %sign3A_389 = arith.constant 0 : i32
      %sign3A_390 = arith.cmpi slt, %add3A_383, %sign3A_389 : i32
      %sign3A_391 = arith.extui %sign3A_390 : i1 to i32
      %sign3A_392 = arith.subi %sign3A_388, %sign3A_391 : i32
      %sign3A_393 = arith.constant 0 : i32
      %sign3A_394 = arith.cmpi sgt, %jit3A_384, %sign3A_393 : i32
      %sign3A_395 = arith.extui %sign3A_394 : i1 to i32
      %sign3A_396 = arith.constant 0 : i32
      %sign3A_397 = arith.cmpi slt, %jit3A_384, %sign3A_396 : i32
      %sign3A_398 = arith.extui %sign3A_397 : i1 to i32
      %sign3A_399 = arith.subi %sign3A_395, %sign3A_398 : i32
      %ne3A_400 = arith.cmpi ne, %sign3A_392, %sign3A_399 : i32
      %rem3A_401 = arith.remsi %add3A_383, %jit3A_384 : i32
      %ne3A_402 = arith.constant 0 : i32
      %ne3A_403 = arith.cmpi ne, %rem3A_401, %ne3A_402 : i32
      %and3A_404 = arith.andi %ne3A_400, %ne3A_403 : i1
      %sub3A_405 = arith.constant 1 : i32
      %sub3A_406 = arith.subi %div3A_385, %sub3A_405 : i32
      %select_n3A_407 = arith.select %and3A_404, %sub3A_406, %div3A_385 : i32
      %jit3A_408 = arith.constant 2 : i32
      %eq3A_409 = arith.constant 0 : i32
      %eq3A_410 = arith.cmpi eq, %jit3A_408, %eq3A_409 : i32
      %jit3A_411 = arith.constant 1 : i32
      %select_n3A_412 = arith.select %eq3A_410, %jit3A_411, %jit3A_408 : i32
      %rem3A_413 = arith.remsi %add3A_383, %select_n3A_412 : i32
      %ne3A_414 = arith.constant 0 : i32
      %ne3A_415 = arith.cmpi ne, %rem3A_413, %ne3A_414 : i32
      %lt3A_416 = arith.constant 0 : i32
      %lt3A_417 = arith.cmpi slt, %rem3A_413, %lt3A_416 : i32
      %lt3A_418 = arith.constant 0 : i32
      %lt3A_419 = arith.cmpi slt, %select_n3A_412, %lt3A_418 : i32
      %ne3A_420 = arith.xori %lt3A_417, %lt3A_419 : i1
      %and3A_421 = arith.andi %ne3A_420, %ne3A_415 : i1
      %add3A_422 = arith.addi %rem3A_413, %select_n3A_412 : i32
      %select_n3A_423 = arith.select %and3A_421, %add3A_422, %rem3A_413 : i32
      %mul3A_424 = arith.constant 64 : i32
      %mul3A_425 = arith.muli %select_n3A_423, %mul3A_424 : i32
      %dma_wait3A_426 = tpu.memref_slice %arg5[%select_n3A_407, %mul3A_425] : memref<50x128xi32, #tpu.memory_space<vmem>> -> memref<1x64xi32, #tpu.memory_space<vmem>>
      %dma_wait3A_427 = tpu.memref_squeeze %dma_wait3A_426 : memref<1x64xi32, #tpu.memory_space<vmem>> -> memref<64xi32, #tpu.memory_space<vmem>>
      %dma_wait3A_428 = arith.constant 0 : i32
      %dma_wait3A_429 = arith.constant 0 : i32
      %dma_wait3A_430 = tpu.memref_slice %arg3[%dma_wait3A_428, %dma_wait3A_429] : memref<100000x128xf32, #tpu.memory_space<hbm>> -> memref<100000x128xf32, #tpu.memory_space<hbm>>
      tpu.wait_indirect_dma semaphore(%arg14 : memref<!tpu.dma_semaphore, #tpu.memory_space<semaphore_mem>>) src(%dma_wait3A_430 : memref<100000x128xf32, #tpu.memory_space<hbm>>) dst(%arg9 : memref<64x128xf32, #tpu.memory_space<vmem>>)
      %add3A_431 = arith.constant 3 : i32
      %add3A_432 = arith.addi %mul3A_91, %add3A_431 : i32
      %jit3A_433 = arith.constant 2 : i32
      %div3A_434 = arith.divsi %add3A_432, %jit3A_433 : i32
      %sign3A_435 = arith.constant 0 : i32
      %sign3A_436 = arith.cmpi sgt, %add3A_432, %sign3A_435 : i32
      %sign3A_437 = arith.extui %sign3A_436 : i1 to i32
      %sign3A_438 = arith.constant 0 : i32
      %sign3A_439 = arith.cmpi slt, %add3A_432, %sign3A_438 : i32
      %sign3A_440 = arith.extui %sign3A_439 : i1 to i32
      %sign3A_441 = arith.subi %sign3A_437, %sign3A_440 : i32
      %sign3A_442 = arith.constant 0 : i32
      %sign3A_443 = arith.cmpi sgt, %jit3A_433, %sign3A_442 : i32
      %sign3A_444 = arith.extui %sign3A_443 : i1 to i32
      %sign3A_445 = arith.constant 0 : i32
      %sign3A_446 = arith.cmpi slt, %jit3A_433, %sign3A_445 : i32
      %sign3A_447 = arith.extui %sign3A_446 : i1 to i32
      %sign3A_448 = arith.subi %sign3A_444, %sign3A_447 : i32
      %ne3A_449 = arith.cmpi ne, %sign3A_441, %sign3A_448 : i32
      %rem3A_450 = arith.remsi %add3A_432, %jit3A_433 : i32
      %ne3A_451 = arith.constant 0 : i32
      %ne3A_452 = arith.cmpi ne, %rem3A_450, %ne3A_451 : i32
      %and3A_453 = arith.andi %ne3A_449, %ne3A_452 : i1
      %sub3A_454 = arith.constant 1 : i32
      %sub3A_455 = arith.subi %div3A_434, %sub3A_454 : i32
      %select_n3A_456 = arith.select %and3A_453, %sub3A_455, %div3A_434 : i32
      %jit3A_457 = arith.constant 2 : i32
      %eq3A_458 = arith.constant 0 : i32
      %eq3A_459 = arith.cmpi eq, %jit3A_457, %eq3A_458 : i32
      %jit3A_460 = arith.constant 1 : i32
      %select_n3A_461 = arith.select %eq3A_459, %jit3A_460, %jit3A_457 : i32
      %rem3A_462 = arith.remsi %add3A_432, %select_n3A_461 : i32
      %ne3A_463 = arith.constant 0 : i32
      %ne3A_464 = arith.cmpi ne, %rem3A_462, %ne3A_463 : i32
      %lt3A_465 = arith.constant 0 : i32
      %lt3A_466 = arith.cmpi slt, %rem3A_462, %lt3A_465 : i32
      %lt3A_467 = arith.constant 0 : i32
      %lt3A_468 = arith.cmpi slt, %select_n3A_461, %lt3A_467 : i32
      %ne3A_469 = arith.xori %lt3A_466, %lt3A_468 : i1
      %and3A_470 = arith.andi %ne3A_469, %ne3A_464 : i1
      %add3A_471 = arith.addi %rem3A_462, %select_n3A_461 : i32
      %select_n3A_472 = arith.select %and3A_470, %add3A_471, %rem3A_462 : i32
      %mul3A_473 = arith.constant 64 : i32
      %mul3A_474 = arith.muli %select_n3A_472, %mul3A_473 : i32
      %add3A_475 = arith.addi %mul3A_2, %mul3A_474 : i32
      %dma_start3A_476 = arith.constant 0 : i32
      %dma_start3A_477 = tpu.memref_slice %arg4[%select_n3A_456, %add3A_475, %dma_start3A_476] : memref<50x4096x128xf32, #tpu.memory_space<hbm>> -> memref<1x64x128xf32, #tpu.memory_space<hbm>>
      %dma_start3A_478 = tpu.memref_squeeze %dma_start3A_477 : memref<1x64x128xf32, #tpu.memory_space<hbm>> -> memref<64x128xf32, #tpu.memory_space<hbm>>
      %dma_start3A_479 = arith.constant 0 : i32
      %dma_start3A_480 = tpu.memref_slice %arg4[%select_n3A_456, %add3A_475, %dma_start3A_479] : memref<50x4096x128xf32, #tpu.memory_space<hbm>> -> memref<1x64x128xf32, #tpu.memory_space<hbm>>
      %dma_start3A_481 = tpu.memref_squeeze %dma_start3A_480 : memref<1x64x128xf32, #tpu.memory_space<hbm>> -> memref<64x128xf32, #tpu.memory_space<hbm>>
      tpu.enqueue_dma source(%arg9 : memref<64x128xf32, #tpu.memory_space<vmem>>) target(%dma_start3A_481 : memref<64x128xf32, #tpu.memory_space<hbm>>) target_semaphore(%arg19 : memref<!tpu.dma_semaphore, #tpu.memory_space<semaphore_mem>>)
      %add3A_482 = arith.constant 4 : i32
      %add3A_483 = arith.addi %mul3A_91, %add3A_482 : i32
      %jit3A_484 = arith.constant 2 : i32
      %div3A_485 = arith.divsi %add3A_483, %jit3A_484 : i32
      %sign3A_486 = arith.constant 0 : i32
      %sign3A_487 = arith.cmpi sgt, %add3A_483, %sign3A_486 : i32
      %sign3A_488 = arith.extui %sign3A_487 : i1 to i32
      %sign3A_489 = arith.constant 0 : i32
      %sign3A_490 = arith.cmpi slt, %add3A_483, %sign3A_489 : i32
      %sign3A_491 = arith.extui %sign3A_490 : i1 to i32
      %sign3A_492 = arith.subi %sign3A_488, %sign3A_491 : i32
      %sign3A_493 = arith.constant 0 : i32
      %sign3A_494 = arith.cmpi sgt, %jit3A_484, %sign3A_493 : i32
      %sign3A_495 = arith.extui %sign3A_494 : i1 to i32
      %sign3A_496 = arith.constant 0 : i32
      %sign3A_497 = arith.cmpi slt, %jit3A_484, %sign3A_496 : i32
      %sign3A_498 = arith.extui %sign3A_497 : i1 to i32
      %sign3A_499 = arith.subi %sign3A_495, %sign3A_498 : i32
      %ne3A_500 = arith.cmpi ne, %sign3A_492, %sign3A_499 : i32
      %rem3A_501 = arith.remsi %add3A_483, %jit3A_484 : i32
      %ne3A_502 = arith.constant 0 : i32
      %ne3A_503 = arith.cmpi ne, %rem3A_501, %ne3A_502 : i32
      %and3A_504 = arith.andi %ne3A_500, %ne3A_503 : i1
      %sub3A_505 = arith.constant 1 : i32
      %sub3A_506 = arith.subi %div3A_485, %sub3A_505 : i32
      %select_n3A_507 = arith.select %and3A_504, %sub3A_506, %div3A_485 : i32
      %jit3A_508 = arith.constant 2 : i32
      %eq3A_509 = arith.constant 0 : i32
      %eq3A_510 = arith.cmpi eq, %jit3A_508, %eq3A_509 : i32
      %jit3A_511 = arith.constant 1 : i32
      %select_n3A_512 = arith.select %eq3A_510, %jit3A_511, %jit3A_508 : i32
      %rem3A_513 = arith.remsi %add3A_483, %select_n3A_512 : i32
      %ne3A_514 = arith.constant 0 : i32
      %ne3A_515 = arith.cmpi ne, %rem3A_513, %ne3A_514 : i32
      %lt3A_516 = arith.constant 0 : i32
      %lt3A_517 = arith.cmpi slt, %rem3A_513, %lt3A_516 : i32
      %lt3A_518 = arith.constant 0 : i32
      %lt3A_519 = arith.cmpi slt, %select_n3A_512, %lt3A_518 : i32
      %ne3A_520 = arith.xori %lt3A_517, %lt3A_519 : i1
      %and3A_521 = arith.andi %ne3A_520, %ne3A_515 : i1
      %add3A_522 = arith.addi %rem3A_513, %select_n3A_512 : i32
      %select_n3A_523 = arith.select %and3A_521, %add3A_522, %rem3A_513 : i32
      %mul3A_524 = arith.constant 64 : i32
      %mul3A_525 = arith.muli %select_n3A_523, %mul3A_524 : i32
      %dma_wait3A_526 = tpu.memref_slice %arg5[%select_n3A_507, %mul3A_525] : memref<50x128xi32, #tpu.memory_space<vmem>> -> memref<1x64xi32, #tpu.memory_space<vmem>>
      %dma_wait3A_527 = tpu.memref_squeeze %dma_wait3A_526 : memref<1x64xi32, #tpu.memory_space<vmem>> -> memref<64xi32, #tpu.memory_space<vmem>>
      %dma_wait3A_528 = arith.constant 0 : i32
      %dma_wait3A_529 = arith.constant 0 : i32
      %dma_wait3A_530 = tpu.memref_slice %arg3[%dma_wait3A_528, %dma_wait3A_529] : memref<100000x128xf32, #tpu.memory_space<hbm>> -> memref<100000x128xf32, #tpu.memory_space<hbm>>
      tpu.wait_indirect_dma semaphore(%arg15 : memref<!tpu.dma_semaphore, #tpu.memory_space<semaphore_mem>>) src(%dma_wait3A_530 : memref<100000x128xf32, #tpu.memory_space<hbm>>) dst(%arg10 : memref<64x128xf32, #tpu.memory_space<vmem>>)
      %add3A_531 = arith.constant 4 : i32
      %add3A_532 = arith.addi %mul3A_91, %add3A_531 : i32
      %jit3A_533 = arith.constant 2 : i32
      %div3A_534 = arith.divsi %add3A_532, %jit3A_533 : i32
      %sign3A_535 = arith.constant 0 : i32
      %sign3A_536 = arith.cmpi sgt, %add3A_532, %sign3A_535 : i32
      %sign3A_537 = arith.extui %sign3A_536 : i1 to i32
      %sign3A_538 = arith.constant 0 : i32
      %sign3A_539 = arith.cmpi slt, %add3A_532, %sign3A_538 : i32
      %sign3A_540 = arith.extui %sign3A_539 : i1 to i32
      %sign3A_541 = arith.subi %sign3A_537, %sign3A_540 : i32
      %sign3A_542 = arith.constant 0 : i32
      %sign3A_543 = arith.cmpi sgt, %jit3A_533, %sign3A_542 : i32
      %sign3A_544 = arith.extui %sign3A_543 : i1 to i32
      %sign3A_545 = arith.constant 0 : i32
      %sign3A_546 = arith.cmpi slt, %jit3A_533, %sign3A_545 : i32
      %sign3A_547 = arith.extui %sign3A_546 : i1 to i32
      %sign3A_548 = arith.subi %sign3A_544, %sign3A_547 : i32
      %ne3A_549 = arith.cmpi ne, %sign3A_541, %sign3A_548 : i32
      %rem3A_550 = arith.remsi %add3A_532, %jit3A_533 : i32
      %ne3A_551 = arith.constant 0 : i32
      %ne3A_552 = arith.cmpi ne, %rem3A_550, %ne3A_551 : i32
      %and3A_553 = arith.andi %ne3A_549, %ne3A_552 : i1
      %sub3A_554 = arith.constant 1 : i32
      %sub3A_555 = arith.subi %div3A_534, %sub3A_554 : i32
      %select_n3A_556 = arith.select %and3A_553, %sub3A_555, %div3A_534 : i32
      %jit3A_557 = arith.constant 2 : i32
      %eq3A_558 = arith.constant 0 : i32
      %eq3A_559 = arith.cmpi eq, %jit3A_557, %eq3A_558 : i32
      %jit3A_560 = arith.constant 1 : i32
      %select_n3A_561 = arith.select %eq3A_559, %jit3A_560, %jit3A_557 : i32
      %rem3A_562 = arith.remsi %add3A_532, %select_n3A_561 : i32
      %ne3A_563 = arith.constant 0 : i32
      %ne3A_564 = arith.cmpi ne, %rem3A_562, %ne3A_563 : i32
      %lt3A_565 = arith.constant 0 : i32
      %lt3A_566 = arith.cmpi slt, %rem3A_562, %lt3A_565 : i32
      %lt3A_567 = arith.constant 0 : i32
      %lt3A_568 = arith.cmpi slt, %select_n3A_561, %lt3A_567 : i32
      %ne3A_569 = arith.xori %lt3A_566, %lt3A_568 : i1
      %and3A_570 = arith.andi %ne3A_569, %ne3A_564 : i1
      %add3A_571 = arith.addi %rem3A_562, %select_n3A_561 : i32
      %select_n3A_572 = arith.select %and3A_570, %add3A_571, %rem3A_562 : i32
      %mul3A_573 = arith.constant 64 : i32
      %mul3A_574 = arith.muli %select_n3A_572, %mul3A_573 : i32
      %add3A_575 = arith.addi %mul3A_2, %mul3A_574 : i32
      %dma_start3A_576 = arith.constant 0 : i32
      %dma_start3A_577 = tpu.memref_slice %arg4[%select_n3A_556, %add3A_575, %dma_start3A_576] : memref<50x4096x128xf32, #tpu.memory_space<hbm>> -> memref<1x64x128xf32, #tpu.memory_space<hbm>>
      %dma_start3A_578 = tpu.memref_squeeze %dma_start3A_577 : memref<1x64x128xf32, #tpu.memory_space<hbm>> -> memref<64x128xf32, #tpu.memory_space<hbm>>
      %dma_start3A_579 = arith.constant 0 : i32
      %dma_start3A_580 = tpu.memref_slice %arg4[%select_n3A_556, %add3A_575, %dma_start3A_579] : memref<50x4096x128xf32, #tpu.memory_space<hbm>> -> memref<1x64x128xf32, #tpu.memory_space<hbm>>
      %dma_start3A_581 = tpu.memref_squeeze %dma_start3A_580 : memref<1x64x128xf32, #tpu.memory_space<hbm>> -> memref<64x128xf32, #tpu.memory_space<hbm>>
      tpu.enqueue_dma source(%arg10 : memref<64x128xf32, #tpu.memory_space<vmem>>) target(%dma_start3A_581 : memref<64x128xf32, #tpu.memory_space<hbm>>) target_semaphore(%arg20 : memref<!tpu.dma_semaphore, #tpu.memory_space<semaphore_mem>>)
      %lt3A_582 = arith.constant 19 : i32
      %lt3A_583 = arith.cmpi slt, %add3A_89, %lt3A_582 : i32
      %convert_element_type3A = arith.extui %lt3A_583 : i1 to i32
      %cond3A = arith.constant 0 : i32
      %cond3A_584 = arith.cmpi ne, %convert_element_type3A, %cond3A : i32
      scf.if %cond3A_584 {
        %add3A_585 = arith.constant 0 : i32
        %add3A_586 = arith.addi %mul3A_91, %add3A_585 : i32
        %jit3A_587 = arith.constant 2 : i32
        %div3A_588 = arith.divsi %add3A_586, %jit3A_587 : i32
        %sign3A_589 = arith.constant 0 : i32
        %sign3A_590 = arith.cmpi sgt, %add3A_586, %sign3A_589 : i32
        %sign3A_591 = arith.extui %sign3A_590 : i1 to i32
        %sign3A_592 = arith.constant 0 : i32
        %sign3A_593 = arith.cmpi slt, %add3A_586, %sign3A_592 : i32
        %sign3A_594 = arith.extui %sign3A_593 : i1 to i32
        %sign3A_595 = arith.subi %sign3A_591, %sign3A_594 : i32
        %sign3A_596 = arith.constant 0 : i32
        %sign3A_597 = arith.cmpi sgt, %jit3A_587, %sign3A_596 : i32
        %sign3A_598 = arith.extui %sign3A_597 : i1 to i32
        %sign3A_599 = arith.constant 0 : i32
        %sign3A_600 = arith.cmpi slt, %jit3A_587, %sign3A_599 : i32
        %sign3A_601 = arith.extui %sign3A_600 : i1 to i32
        %sign3A_602 = arith.subi %sign3A_598, %sign3A_601 : i32
        %ne3A_603 = arith.cmpi ne, %sign3A_595, %sign3A_602 : i32
        %rem3A_604 = arith.remsi %add3A_586, %jit3A_587 : i32
        %ne3A_605 = arith.constant 0 : i32
        %ne3A_606 = arith.cmpi ne, %rem3A_604, %ne3A_605 : i32
        %and3A_607 = arith.andi %ne3A_603, %ne3A_606 : i1
        %sub3A_608 = arith.constant 1 : i32
        %sub3A_609 = arith.subi %div3A_588, %sub3A_608 : i32
        %select_n3A_610 = arith.select %and3A_607, %sub3A_609, %div3A_588 : i32
        %jit3A_611 = arith.constant 2 : i32
        %eq3A_612 = arith.constant 0 : i32
        %eq3A_613 = arith.cmpi eq, %jit3A_611, %eq3A_612 : i32
        %jit3A_614 = arith.constant 1 : i32
        %select_n3A_615 = arith.select %eq3A_613, %jit3A_614, %jit3A_611 : i32
        %rem3A_616 = arith.remsi %add3A_586, %select_n3A_615 : i32
        %ne3A_617 = arith.constant 0 : i32
        %ne3A_618 = arith.cmpi ne, %rem3A_616, %ne3A_617 : i32
        %lt3A_619 = arith.constant 0 : i32
        %lt3A_620 = arith.cmpi slt, %rem3A_616, %lt3A_619 : i32
        %lt3A_621 = arith.constant 0 : i32
        %lt3A_622 = arith.cmpi slt, %select_n3A_615, %lt3A_621 : i32
        %ne3A_623 = arith.xori %lt3A_620, %lt3A_622 : i1
        %and3A_624 = arith.andi %ne3A_623, %ne3A_618 : i1
        %add3A_625 = arith.addi %rem3A_616, %select_n3A_615 : i32
        %select_n3A_626 = arith.select %and3A_624, %add3A_625, %rem3A_616 : i32
        %mul3A_627 = arith.constant 64 : i32
        %mul3A_628 = arith.muli %select_n3A_626, %mul3A_627 : i32
        %add3A_629 = arith.addi %mul3A_2, %mul3A_628 : i32
        %dma_wait3A_630 = arith.constant 0 : i32
        %dma_wait3A_631 = tpu.memref_slice %arg4[%select_n3A_610, %add3A_629, %dma_wait3A_630] : memref<50x4096x128xf32, #tpu.memory_space<hbm>> -> memref<1x64x128xf32, #tpu.memory_space<hbm>>
        %dma_wait3A_632 = tpu.memref_squeeze %dma_wait3A_631 : memref<1x64x128xf32, #tpu.memory_space<hbm>> -> memref<64x128xf32, #tpu.memory_space<hbm>>
        %dma_wait3A_633 = arith.constant 0 : i32
        %dma_wait3A_634 = tpu.memref_slice %arg4[%select_n3A_610, %add3A_629, %dma_wait3A_633] : memref<50x4096x128xf32, #tpu.memory_space<hbm>> -> memref<1x64x128xf32, #tpu.memory_space<hbm>>
        %dma_wait3A_635 = tpu.memref_squeeze %dma_wait3A_634 : memref<1x64x128xf32, #tpu.memory_space<hbm>> -> memref<64x128xf32, #tpu.memory_space<hbm>>
        tpu.wait_dma2 semaphore(%arg16 : memref<!tpu.dma_semaphore, #tpu.memory_space<semaphore_mem>>) src(%arg6 : memref<64x128xf32, #tpu.memory_space<vmem>>) dst(%dma_wait3A_635 : memref<64x128xf32, #tpu.memory_space<hbm>>)
        %add3A_636 = arith.constant 5 : i32
        %add3A_637 = arith.addi %mul3A_91, %add3A_636 : i32
        %add3A_638 = arith.constant 0 : i32
        %add3A_639 = arith.addi %add3A_637, %add3A_638 : i32
        %jit3A_640 = arith.constant 2 : i32
        %div3A_641 = arith.divsi %add3A_639, %jit3A_640 : i32
        %sign3A_642 = arith.constant 0 : i32
        %sign3A_643 = arith.cmpi sgt, %add3A_639, %sign3A_642 : i32
        %sign3A_644 = arith.extui %sign3A_643 : i1 to i32
        %sign3A_645 = arith.constant 0 : i32
        %sign3A_646 = arith.cmpi slt, %add3A_639, %sign3A_645 : i32
        %sign3A_647 = arith.extui %sign3A_646 : i1 to i32
        %sign3A_648 = arith.subi %sign3A_644, %sign3A_647 : i32
        %sign3A_649 = arith.constant 0 : i32
        %sign3A_650 = arith.cmpi sgt, %jit3A_640, %sign3A_649 : i32
        %sign3A_651 = arith.extui %sign3A_650 : i1 to i32
        %sign3A_652 = arith.constant 0 : i32
        %sign3A_653 = arith.cmpi slt, %jit3A_640, %sign3A_652 : i32
        %sign3A_654 = arith.extui %sign3A_653 : i1 to i32
        %sign3A_655 = arith.subi %sign3A_651, %sign3A_654 : i32
        %ne3A_656 = arith.cmpi ne, %sign3A_648, %sign3A_655 : i32
        %rem3A_657 = arith.remsi %add3A_639, %jit3A_640 : i32
        %ne3A_658 = arith.constant 0 : i32
        %ne3A_659 = arith.cmpi ne, %rem3A_657, %ne3A_658 : i32
        %and3A_660 = arith.andi %ne3A_656, %ne3A_659 : i1
        %sub3A_661 = arith.constant 1 : i32
        %sub3A_662 = arith.subi %div3A_641, %sub3A_661 : i32
        %select_n3A_663 = arith.select %and3A_660, %sub3A_662, %div3A_641 : i32
        %jit3A_664 = arith.constant 2 : i32
        %eq3A_665 = arith.constant 0 : i32
        %eq3A_666 = arith.cmpi eq, %jit3A_664, %eq3A_665 : i32
        %jit3A_667 = arith.constant 1 : i32
        %select_n3A_668 = arith.select %eq3A_666, %jit3A_667, %jit3A_664 : i32
        %rem3A_669 = arith.remsi %add3A_639, %select_n3A_668 : i32
        %ne3A_670 = arith.constant 0 : i32
        %ne3A_671 = arith.cmpi ne, %rem3A_669, %ne3A_670 : i32
        %lt3A_672 = arith.constant 0 : i32
        %lt3A_673 = arith.cmpi slt, %rem3A_669, %lt3A_672 : i32
        %lt3A_674 = arith.constant 0 : i32
        %lt3A_675 = arith.cmpi slt, %select_n3A_668, %lt3A_674 : i32
        %ne3A_676 = arith.xori %lt3A_673, %lt3A_675 : i1
        %and3A_677 = arith.andi %ne3A_676, %ne3A_671 : i1
        %add3A_678 = arith.addi %rem3A_669, %select_n3A_668 : i32
        %select_n3A_679 = arith.select %and3A_677, %add3A_678, %rem3A_669 : i32
        %mul3A_680 = arith.constant 64 : i32
        %mul3A_681 = arith.muli %select_n3A_679, %mul3A_680 : i32
        %dma_start3A_682 = tpu.memref_slice %arg5[%select_n3A_663, %mul3A_681] : memref<50x128xi32, #tpu.memory_space<vmem>> -> memref<1x64xi32, #tpu.memory_space<vmem>>
        %dma_start3A_683 = tpu.memref_squeeze %dma_start3A_682 : memref<1x64xi32, #tpu.memory_space<vmem>> -> memref<64xi32, #tpu.memory_space<vmem>>
        %dma_start3A_684 = arith.constant 0 : i32
        %dma_start3A_685 = arith.constant 0 : i32
        %dma_start3A_686 = tpu.memref_slice %arg3[%dma_start3A_684, %dma_start3A_685] : memref<100000x128xf32, #tpu.memory_space<hbm>> -> memref<100000x128xf32, #tpu.memory_space<hbm>>
        tpu.enqueue_indirect_dma source(%dma_start3A_686 : memref<100000x128xf32, #tpu.memory_space<hbm>>) target(%arg6 : memref<64x128xf32, #tpu.memory_space<vmem>>) offsets(%dma_start3A_683 : memref<64xi32, #tpu.memory_space<vmem>>) semaphore(%arg11 : memref<!tpu.dma_semaphore, #tpu.memory_space<semaphore_mem>>)
        %add3A_687 = arith.constant 1 : i32
        %add3A_688 = arith.addi %mul3A_91, %add3A_687 : i32
        %jit3A_689 = arith.constant 2 : i32
        %div3A_690 = arith.divsi %add3A_688, %jit3A_689 : i32
        %sign3A_691 = arith.constant 0 : i32
        %sign3A_692 = arith.cmpi sgt, %add3A_688, %sign3A_691 : i32
        %sign3A_693 = arith.extui %sign3A_692 : i1 to i32
        %sign3A_694 = arith.constant 0 : i32
        %sign3A_695 = arith.cmpi slt, %add3A_688, %sign3A_694 : i32
        %sign3A_696 = arith.extui %sign3A_695 : i1 to i32
        %sign3A_697 = arith.subi %sign3A_693, %sign3A_696 : i32
        %sign3A_698 = arith.constant 0 : i32
        %sign3A_699 = arith.cmpi sgt, %jit3A_689, %sign3A_698 : i32
        %sign3A_700 = arith.extui %sign3A_699 : i1 to i32
        %sign3A_701 = arith.constant 0 : i32
        %sign3A_702 = arith.cmpi slt, %jit3A_689, %sign3A_701 : i32
        %sign3A_703 = arith.extui %sign3A_702 : i1 to i32
        %sign3A_704 = arith.subi %sign3A_700, %sign3A_703 : i32
        %ne3A_705 = arith.cmpi ne, %sign3A_697, %sign3A_704 : i32
        %rem3A_706 = arith.remsi %add3A_688, %jit3A_689 : i32
        %ne3A_707 = arith.constant 0 : i32
        %ne3A_708 = arith.cmpi ne, %rem3A_706, %ne3A_707 : i32
        %and3A_709 = arith.andi %ne3A_705, %ne3A_708 : i1
        %sub3A_710 = arith.constant 1 : i32
        %sub3A_711 = arith.subi %div3A_690, %sub3A_710 : i32
        %select_n3A_712 = arith.select %and3A_709, %sub3A_711, %div3A_690 : i32
        %jit3A_713 = arith.constant 2 : i32
        %eq3A_714 = arith.constant 0 : i32
        %eq3A_715 = arith.cmpi eq, %jit3A_713, %eq3A_714 : i32
        %jit3A_716 = arith.constant 1 : i32
        %select_n3A_717 = arith.select %eq3A_715, %jit3A_716, %jit3A_713 : i32
        %rem3A_718 = arith.remsi %add3A_688, %select_n3A_717 : i32
        %ne3A_719 = arith.constant 0 : i32
        %ne3A_720 = arith.cmpi ne, %rem3A_718, %ne3A_719 : i32
        %lt3A_721 = arith.constant 0 : i32
        %lt3A_722 = arith.cmpi slt, %rem3A_718, %lt3A_721 : i32
        %lt3A_723 = arith.constant 0 : i32
        %lt3A_724 = arith.cmpi slt, %select_n3A_717, %lt3A_723 : i32
        %ne3A_725 = arith.xori %lt3A_722, %lt3A_724 : i1
        %and3A_726 = arith.andi %ne3A_725, %ne3A_720 : i1
        %add3A_727 = arith.addi %rem3A_718, %select_n3A_717 : i32
        %select_n3A_728 = arith.select %and3A_726, %add3A_727, %rem3A_718 : i32
        %mul3A_729 = arith.constant 64 : i32
        %mul3A_730 = arith.muli %select_n3A_728, %mul3A_729 : i32
        %add3A_731 = arith.addi %mul3A_2, %mul3A_730 : i32
        %dma_wait3A_732 = arith.constant 0 : i32
        %dma_wait3A_733 = tpu.memref_slice %arg4[%select_n3A_712, %add3A_731, %dma_wait3A_732] : memref<50x4096x128xf32, #tpu.memory_space<hbm>> -> memref<1x64x128xf32, #tpu.memory_space<hbm>>
        %dma_wait3A_734 = tpu.memref_squeeze %dma_wait3A_733 : memref<1x64x128xf32, #tpu.memory_space<hbm>> -> memref<64x128xf32, #tpu.memory_space<hbm>>
        %dma_wait3A_735 = arith.constant 0 : i32
        %dma_wait3A_736 = tpu.memref_slice %arg4[%select_n3A_712, %add3A_731, %dma_wait3A_735] : memref<50x4096x128xf32, #tpu.memory_space<hbm>> -> memref<1x64x128xf32, #tpu.memory_space<hbm>>
        %dma_wait3A_737 = tpu.memref_squeeze %dma_wait3A_736 : memref<1x64x128xf32, #tpu.memory_space<hbm>> -> memref<64x128xf32, #tpu.memory_space<hbm>>
        tpu.wait_dma2 semaphore(%arg17 : memref<!tpu.dma_semaphore, #tpu.memory_space<semaphore_mem>>) src(%arg7 : memref<64x128xf32, #tpu.memory_space<vmem>>) dst(%dma_wait3A_737 : memref<64x128xf32, #tpu.memory_space<hbm>>)
        %add3A_738 = arith.constant 5 : i32
        %add3A_739 = arith.addi %mul3A_91, %add3A_738 : i32
        %add3A_740 = arith.constant 1 : i32
        %add3A_741 = arith.addi %add3A_739, %add3A_740 : i32
        %jit3A_742 = arith.constant 2 : i32
        %div3A_743 = arith.divsi %add3A_741, %jit3A_742 : i32
        %sign3A_744 = arith.constant 0 : i32
        %sign3A_745 = arith.cmpi sgt, %add3A_741, %sign3A_744 : i32
        %sign3A_746 = arith.extui %sign3A_745 : i1 to i32
        %sign3A_747 = arith.constant 0 : i32
        %sign3A_748 = arith.cmpi slt, %add3A_741, %sign3A_747 : i32
        %sign3A_749 = arith.extui %sign3A_748 : i1 to i32
        %sign3A_750 = arith.subi %sign3A_746, %sign3A_749 : i32
        %sign3A_751 = arith.constant 0 : i32
        %sign3A_752 = arith.cmpi sgt, %jit3A_742, %sign3A_751 : i32
        %sign3A_753 = arith.extui %sign3A_752 : i1 to i32
        %sign3A_754 = arith.constant 0 : i32
        %sign3A_755 = arith.cmpi slt, %jit3A_742, %sign3A_754 : i32
        %sign3A_756 = arith.extui %sign3A_755 : i1 to i32
        %sign3A_757 = arith.subi %sign3A_753, %sign3A_756 : i32
        %ne3A_758 = arith.cmpi ne, %sign3A_750, %sign3A_757 : i32
        %rem3A_759 = arith.remsi %add3A_741, %jit3A_742 : i32
        %ne3A_760 = arith.constant 0 : i32
        %ne3A_761 = arith.cmpi ne, %rem3A_759, %ne3A_760 : i32
        %and3A_762 = arith.andi %ne3A_758, %ne3A_761 : i1
        %sub3A_763 = arith.constant 1 : i32
        %sub3A_764 = arith.subi %div3A_743, %sub3A_763 : i32
        %select_n3A_765 = arith.select %and3A_762, %sub3A_764, %div3A_743 : i32
        %jit3A_766 = arith.constant 2 : i32
        %eq3A_767 = arith.constant 0 : i32
        %eq3A_768 = arith.cmpi eq, %jit3A_766, %eq3A_767 : i32
        %jit3A_769 = arith.constant 1 : i32
        %select_n3A_770 = arith.select %eq3A_768, %jit3A_769, %jit3A_766 : i32
        %rem3A_771 = arith.remsi %add3A_741, %select_n3A_770 : i32
        %ne3A_772 = arith.constant 0 : i32
        %ne3A_773 = arith.cmpi ne, %rem3A_771, %ne3A_772 : i32
        %lt3A_774 = arith.constant 0 : i32
        %lt3A_775 = arith.cmpi slt, %rem3A_771, %lt3A_774 : i32
        %lt3A_776 = arith.constant 0 : i32
        %lt3A_777 = arith.cmpi slt, %select_n3A_770, %lt3A_776 : i32
        %ne3A_778 = arith.xori %lt3A_775, %lt3A_777 : i1
        %and3A_779 = arith.andi %ne3A_778, %ne3A_773 : i1
        %add3A_780 = arith.addi %rem3A_771, %select_n3A_770 : i32
        %select_n3A_781 = arith.select %and3A_779, %add3A_780, %rem3A_771 : i32
        %mul3A_782 = arith.constant 64 : i32
        %mul3A_783 = arith.muli %select_n3A_781, %mul3A_782 : i32
        %dma_start3A_784 = tpu.memref_slice %arg5[%select_n3A_765, %mul3A_783] : memref<50x128xi32, #tpu.memory_space<vmem>> -> memref<1x64xi32, #tpu.memory_space<vmem>>
        %dma_start3A_785 = tpu.memref_squeeze %dma_start3A_784 : memref<1x64xi32, #tpu.memory_space<vmem>> -> memref<64xi32, #tpu.memory_space<vmem>>
        %dma_start3A_786 = arith.constant 0 : i32
        %dma_start3A_787 = arith.constant 0 : i32
        %dma_start3A_788 = tpu.memref_slice %arg3[%dma_start3A_786, %dma_start3A_787] : memref<100000x128xf32, #tpu.memory_space<hbm>> -> memref<100000x128xf32, #tpu.memory_space<hbm>>
        tpu.enqueue_indirect_dma source(%dma_start3A_788 : memref<100000x128xf32, #tpu.memory_space<hbm>>) target(%arg7 : memref<64x128xf32, #tpu.memory_space<vmem>>) offsets(%dma_start3A_785 : memref<64xi32, #tpu.memory_space<vmem>>) semaphore(%arg12 : memref<!tpu.dma_semaphore, #tpu.memory_space<semaphore_mem>>)
        %add3A_789 = arith.constant 2 : i32
        %add3A_790 = arith.addi %mul3A_91, %add3A_789 : i32
        %jit3A_791 = arith.constant 2 : i32
        %div3A_792 = arith.divsi %add3A_790, %jit3A_791 : i32
        %sign3A_793 = arith.constant 0 : i32
        %sign3A_794 = arith.cmpi sgt, %add3A_790, %sign3A_793 : i32
        %sign3A_795 = arith.extui %sign3A_794 : i1 to i32
        %sign3A_796 = arith.constant 0 : i32
        %sign3A_797 = arith.cmpi slt, %add3A_790, %sign3A_796 : i32
        %sign3A_798 = arith.extui %sign3A_797 : i1 to i32
        %sign3A_799 = arith.subi %sign3A_795, %sign3A_798 : i32
        %sign3A_800 = arith.constant 0 : i32
        %sign3A_801 = arith.cmpi sgt, %jit3A_791, %sign3A_800 : i32
        %sign3A_802 = arith.extui %sign3A_801 : i1 to i32
        %sign3A_803 = arith.constant 0 : i32
        %sign3A_804 = arith.cmpi slt, %jit3A_791, %sign3A_803 : i32
        %sign3A_805 = arith.extui %sign3A_804 : i1 to i32
        %sign3A_806 = arith.subi %sign3A_802, %sign3A_805 : i32
        %ne3A_807 = arith.cmpi ne, %sign3A_799, %sign3A_806 : i32
        %rem3A_808 = arith.remsi %add3A_790, %jit3A_791 : i32
        %ne3A_809 = arith.constant 0 : i32
        %ne3A_810 = arith.cmpi ne, %rem3A_808, %ne3A_809 : i32
        %and3A_811 = arith.andi %ne3A_807, %ne3A_810 : i1
        %sub3A_812 = arith.constant 1 : i32
        %sub3A_813 = arith.subi %div3A_792, %sub3A_812 : i32
        %select_n3A_814 = arith.select %and3A_811, %sub3A_813, %div3A_792 : i32
        %jit3A_815 = arith.constant 2 : i32
        %eq3A_816 = arith.constant 0 : i32
        %eq3A_817 = arith.cmpi eq, %jit3A_815, %eq3A_816 : i32
        %jit3A_818 = arith.constant 1 : i32
        %select_n3A_819 = arith.select %eq3A_817, %jit3A_818, %jit3A_815 : i32
        %rem3A_820 = arith.remsi %add3A_790, %select_n3A_819 : i32
        %ne3A_821 = arith.constant 0 : i32
        %ne3A_822 = arith.cmpi ne, %rem3A_820, %ne3A_821 : i32
        %lt3A_823 = arith.constant 0 : i32
        %lt3A_824 = arith.cmpi slt, %rem3A_820, %lt3A_823 : i32
        %lt3A_825 = arith.constant 0 : i32
        %lt3A_826 = arith.cmpi slt, %select_n3A_819, %lt3A_825 : i32
        %ne3A_827 = arith.xori %lt3A_824, %lt3A_826 : i1
        %and3A_828 = arith.andi %ne3A_827, %ne3A_822 : i1
        %add3A_829 = arith.addi %rem3A_820, %select_n3A_819 : i32
        %select_n3A_830 = arith.select %and3A_828, %add3A_829, %rem3A_820 : i32
        %mul3A_831 = arith.constant 64 : i32
        %mul3A_832 = arith.muli %select_n3A_830, %mul3A_831 : i32
        %add3A_833 = arith.addi %mul3A_2, %mul3A_832 : i32
        %dma_wait3A_834 = arith.constant 0 : i32
        %dma_wait3A_835 = tpu.memref_slice %arg4[%select_n3A_814, %add3A_833, %dma_wait3A_834] : memref<50x4096x128xf32, #tpu.memory_space<hbm>> -> memref<1x64x128xf32, #tpu.memory_space<hbm>>
        %dma_wait3A_836 = tpu.memref_squeeze %dma_wait3A_835 : memref<1x64x128xf32, #tpu.memory_space<hbm>> -> memref<64x128xf32, #tpu.memory_space<hbm>>
        %dma_wait3A_837 = arith.constant 0 : i32
        %dma_wait3A_838 = tpu.memref_slice %arg4[%select_n3A_814, %add3A_833, %dma_wait3A_837] : memref<50x4096x128xf32, #tpu.memory_space<hbm>> -> memref<1x64x128xf32, #tpu.memory_space<hbm>>
        %dma_wait3A_839 = tpu.memref_squeeze %dma_wait3A_838 : memref<1x64x128xf32, #tpu.memory_space<hbm>> -> memref<64x128xf32, #tpu.memory_space<hbm>>
        tpu.wait_dma2 semaphore(%arg18 : memref<!tpu.dma_semaphore, #tpu.memory_space<semaphore_mem>>) src(%arg8 : memref<64x128xf32, #tpu.memory_space<vmem>>) dst(%dma_wait3A_839 : memref<64x128xf32, #tpu.memory_space<hbm>>)
        %add3A_840 = arith.constant 5 : i32
        %add3A_841 = arith.addi %mul3A_91, %add3A_840 : i32
        %add3A_842 = arith.constant 2 : i32
        %add3A_843 = arith.addi %add3A_841, %add3A_842 : i32
        %jit3A_844 = arith.constant 2 : i32
        %div3A_845 = arith.divsi %add3A_843, %jit3A_844 : i32
        %sign3A_846 = arith.constant 0 : i32
        %sign3A_847 = arith.cmpi sgt, %add3A_843, %sign3A_846 : i32
        %sign3A_848 = arith.extui %sign3A_847 : i1 to i32
        %sign3A_849 = arith.constant 0 : i32
        %sign3A_850 = arith.cmpi slt, %add3A_843, %sign3A_849 : i32
        %sign3A_851 = arith.extui %sign3A_850 : i1 to i32
        %sign3A_852 = arith.subi %sign3A_848, %sign3A_851 : i32
        %sign3A_853 = arith.constant 0 : i32
        %sign3A_854 = arith.cmpi sgt, %jit3A_844, %sign3A_853 : i32
        %sign3A_855 = arith.extui %sign3A_854 : i1 to i32
        %sign3A_856 = arith.constant 0 : i32
        %sign3A_857 = arith.cmpi slt, %jit3A_844, %sign3A_856 : i32
        %sign3A_858 = arith.extui %sign3A_857 : i1 to i32
        %sign3A_859 = arith.subi %sign3A_855, %sign3A_858 : i32
        %ne3A_860 = arith.cmpi ne, %sign3A_852, %sign3A_859 : i32
        %rem3A_861 = arith.remsi %add3A_843, %jit3A_844 : i32
        %ne3A_862 = arith.constant 0 : i32
        %ne3A_863 = arith.cmpi ne, %rem3A_861, %ne3A_862 : i32
        %and3A_864 = arith.andi %ne3A_860, %ne3A_863 : i1
        %sub3A_865 = arith.constant 1 : i32
        %sub3A_866 = arith.subi %div3A_845, %sub3A_865 : i32
        %select_n3A_867 = arith.select %and3A_864, %sub3A_866, %div3A_845 : i32
        %jit3A_868 = arith.constant 2 : i32
        %eq3A_869 = arith.constant 0 : i32
        %eq3A_870 = arith.cmpi eq, %jit3A_868, %eq3A_869 : i32
        %jit3A_871 = arith.constant 1 : i32
        %select_n3A_872 = arith.select %eq3A_870, %jit3A_871, %jit3A_868 : i32
        %rem3A_873 = arith.remsi %add3A_843, %select_n3A_872 : i32
        %ne3A_874 = arith.constant 0 : i32
        %ne3A_875 = arith.cmpi ne, %rem3A_873, %ne3A_874 : i32
        %lt3A_876 = arith.constant 0 : i32
        %lt3A_877 = arith.cmpi slt, %rem3A_873, %lt3A_876 : i32
        %lt3A_878 = arith.constant 0 : i32
        %lt3A_879 = arith.cmpi slt, %select_n3A_872, %lt3A_878 : i32
        %ne3A_880 = arith.xori %lt3A_877, %lt3A_879 : i1
        %and3A_881 = arith.andi %ne3A_880, %ne3A_875 : i1
        %add3A_882 = arith.addi %rem3A_873, %select_n3A_872 : i32
        %select_n3A_883 = arith.select %and3A_881, %add3A_882, %rem3A_873 : i32
        %mul3A_884 = arith.constant 64 : i32
        %mul3A_885 = arith.muli %select_n3A_883, %mul3A_884 : i32
        %dma_start3A_886 = tpu.memref_slice %arg5[%select_n3A_867, %mul3A_885] : memref<50x128xi32, #tpu.memory_space<vmem>> -> memref<1x64xi32, #tpu.memory_space<vmem>>
        %dma_start3A_887 = tpu.memref_squeeze %dma_start3A_886 : memref<1x64xi32, #tpu.memory_space<vmem>> -> memref<64xi32, #tpu.memory_space<vmem>>
        %dma_start3A_888 = arith.constant 0 : i32
        %dma_start3A_889 = arith.constant 0 : i32
        %dma_start3A_890 = tpu.memref_slice %arg3[%dma_start3A_888, %dma_start3A_889] : memref<100000x128xf32, #tpu.memory_space<hbm>> -> memref<100000x128xf32, #tpu.memory_space<hbm>>
        tpu.enqueue_indirect_dma source(%dma_start3A_890 : memref<100000x128xf32, #tpu.memory_space<hbm>>) target(%arg8 : memref<64x128xf32, #tpu.memory_space<vmem>>) offsets(%dma_start3A_887 : memref<64xi32, #tpu.memory_space<vmem>>) semaphore(%arg13 : memref<!tpu.dma_semaphore, #tpu.memory_space<semaphore_mem>>)
        %add3A_891 = arith.constant 3 : i32
        %add3A_892 = arith.addi %mul3A_91, %add3A_891 : i32
        %jit3A_893 = arith.constant 2 : i32
        %div3A_894 = arith.divsi %add3A_892, %jit3A_893 : i32
        %sign3A_895 = arith.constant 0 : i32
        %sign3A_896 = arith.cmpi sgt, %add3A_892, %sign3A_895 : i32
        %sign3A_897 = arith.extui %sign3A_896 : i1 to i32
        %sign3A_898 = arith.constant 0 : i32
        %sign3A_899 = arith.cmpi slt, %add3A_892, %sign3A_898 : i32
        %sign3A_900 = arith.extui %sign3A_899 : i1 to i32
        %sign3A_901 = arith.subi %sign3A_897, %sign3A_900 : i32
        %sign3A_902 = arith.constant 0 : i32
        %sign3A_903 = arith.cmpi sgt, %jit3A_893, %sign3A_902 : i32
        %sign3A_904 = arith.extui %sign3A_903 : i1 to i32
        %sign3A_905 = arith.constant 0 : i32
        %sign3A_906 = arith.cmpi slt, %jit3A_893, %sign3A_905 : i32
        %sign3A_907 = arith.extui %sign3A_906 : i1 to i32
        %sign3A_908 = arith.subi %sign3A_904, %sign3A_907 : i32
        %ne3A_909 = arith.cmpi ne, %sign3A_901, %sign3A_908 : i32
        %rem3A_910 = arith.remsi %add3A_892, %jit3A_893 : i32
        %ne3A_911 = arith.constant 0 : i32
        %ne3A_912 = arith.cmpi ne, %rem3A_910, %ne3A_911 : i32
        %and3A_913 = arith.andi %ne3A_909, %ne3A_912 : i1
        %sub3A_914 = arith.constant 1 : i32
        %sub3A_915 = arith.subi %div3A_894, %sub3A_914 : i32
        %select_n3A_916 = arith.select %and3A_913, %sub3A_915, %div3A_894 : i32
        %jit3A_917 = arith.constant 2 : i32
        %eq3A_918 = arith.constant 0 : i32
        %eq3A_919 = arith.cmpi eq, %jit3A_917, %eq3A_918 : i32
        %jit3A_920 = arith.constant 1 : i32
        %select_n3A_921 = arith.select %eq3A_919, %jit3A_920, %jit3A_917 : i32
        %rem3A_922 = arith.remsi %add3A_892, %select_n3A_921 : i32
        %ne3A_923 = arith.constant 0 : i32
        %ne3A_924 = arith.cmpi ne, %rem3A_922, %ne3A_923 : i32
        %lt3A_925 = arith.constant 0 : i32
        %lt3A_926 = arith.cmpi slt, %rem3A_922, %lt3A_925 : i32
        %lt3A_927 = arith.constant 0 : i32
        %lt3A_928 = arith.cmpi slt, %select_n3A_921, %lt3A_927 : i32
        %ne3A_929 = arith.xori %lt3A_926, %lt3A_928 : i1
        %and3A_930 = arith.andi %ne3A_929, %ne3A_924 : i1
        %add3A_931 = arith.addi %rem3A_922, %select_n3A_921 : i32
        %select_n3A_932 = arith.select %and3A_930, %add3A_931, %rem3A_922 : i32
        %mul3A_933 = arith.constant 64 : i32
        %mul3A_934 = arith.muli %select_n3A_932, %mul3A_933 : i32
        %add3A_935 = arith.addi %mul3A_2, %mul3A_934 : i32
        %dma_wait3A_936 = arith.constant 0 : i32
        %dma_wait3A_937 = tpu.memref_slice %arg4[%select_n3A_916, %add3A_935, %dma_wait3A_936] : memref<50x4096x128xf32, #tpu.memory_space<hbm>> -> memref<1x64x128xf32, #tpu.memory_space<hbm>>
        %dma_wait3A_938 = tpu.memref_squeeze %dma_wait3A_937 : memref<1x64x128xf32, #tpu.memory_space<hbm>> -> memref<64x128xf32, #tpu.memory_space<hbm>>
        %dma_wait3A_939 = arith.constant 0 : i32
        %dma_wait3A_940 = tpu.memref_slice %arg4[%select_n3A_916, %add3A_935, %dma_wait3A_939] : memref<50x4096x128xf32, #tpu.memory_space<hbm>> -> memref<1x64x128xf32, #tpu.memory_space<hbm>>
        %dma_wait3A_941 = tpu.memref_squeeze %dma_wait3A_940 : memref<1x64x128xf32, #tpu.memory_space<hbm>> -> memref<64x128xf32, #tpu.memory_space<hbm>>
        tpu.wait_dma2 semaphore(%arg19 : memref<!tpu.dma_semaphore, #tpu.memory_space<semaphore_mem>>) src(%arg9 : memref<64x128xf32, #tpu.memory_space<vmem>>) dst(%dma_wait3A_941 : memref<64x128xf32, #tpu.memory_space<hbm>>)
        %add3A_942 = arith.constant 5 : i32
        %add3A_943 = arith.addi %mul3A_91, %add3A_942 : i32
        %add3A_944 = arith.constant 3 : i32
        %add3A_945 = arith.addi %add3A_943, %add3A_944 : i32
        %jit3A_946 = arith.constant 2 : i32
        %div3A_947 = arith.divsi %add3A_945, %jit3A_946 : i32
        %sign3A_948 = arith.constant 0 : i32
        %sign3A_949 = arith.cmpi sgt, %add3A_945, %sign3A_948 : i32
        %sign3A_950 = arith.extui %sign3A_949 : i1 to i32
        %sign3A_951 = arith.constant 0 : i32
        %sign3A_952 = arith.cmpi slt, %add3A_945, %sign3A_951 : i32
        %sign3A_953 = arith.extui %sign3A_952 : i1 to i32
        %sign3A_954 = arith.subi %sign3A_950, %sign3A_953 : i32
        %sign3A_955 = arith.constant 0 : i32
        %sign3A_956 = arith.cmpi sgt, %jit3A_946, %sign3A_955 : i32
        %sign3A_957 = arith.extui %sign3A_956 : i1 to i32
        %sign3A_958 = arith.constant 0 : i32
        %sign3A_959 = arith.cmpi slt, %jit3A_946, %sign3A_958 : i32
        %sign3A_960 = arith.extui %sign3A_959 : i1 to i32
        %sign3A_961 = arith.subi %sign3A_957, %sign3A_960 : i32
        %ne3A_962 = arith.cmpi ne, %sign3A_954, %sign3A_961 : i32
        %rem3A_963 = arith.remsi %add3A_945, %jit3A_946 : i32
        %ne3A_964 = arith.constant 0 : i32
        %ne3A_965 = arith.cmpi ne, %rem3A_963, %ne3A_964 : i32
        %and3A_966 = arith.andi %ne3A_962, %ne3A_965 : i1
        %sub3A_967 = arith.constant 1 : i32
        %sub3A_968 = arith.subi %div3A_947, %sub3A_967 : i32
        %select_n3A_969 = arith.select %and3A_966, %sub3A_968, %div3A_947 : i32
        %jit3A_970 = arith.constant 2 : i32
        %eq3A_971 = arith.constant 0 : i32
        %eq3A_972 = arith.cmpi eq, %jit3A_970, %eq3A_971 : i32
        %jit3A_973 = arith.constant 1 : i32
        %select_n3A_974 = arith.select %eq3A_972, %jit3A_973, %jit3A_970 : i32
        %rem3A_975 = arith.remsi %add3A_945, %select_n3A_974 : i32
        %ne3A_976 = arith.constant 0 : i32
        %ne3A_977 = arith.cmpi ne, %rem3A_975, %ne3A_976 : i32
        %lt3A_978 = arith.constant 0 : i32
        %lt3A_979 = arith.cmpi slt, %rem3A_975, %lt3A_978 : i32
        %lt3A_980 = arith.constant 0 : i32
        %lt3A_981 = arith.cmpi slt, %select_n3A_974, %lt3A_980 : i32
        %ne3A_982 = arith.xori %lt3A_979, %lt3A_981 : i1
        %and3A_983 = arith.andi %ne3A_982, %ne3A_977 : i1
        %add3A_984 = arith.addi %rem3A_975, %select_n3A_974 : i32
        %select_n3A_985 = arith.select %and3A_983, %add3A_984, %rem3A_975 : i32
        %mul3A_986 = arith.constant 64 : i32
        %mul3A_987 = arith.muli %select_n3A_985, %mul3A_986 : i32
        %dma_start3A_988 = tpu.memref_slice %arg5[%select_n3A_969, %mul3A_987] : memref<50x128xi32, #tpu.memory_space<vmem>> -> memref<1x64xi32, #tpu.memory_space<vmem>>
        %dma_start3A_989 = tpu.memref_squeeze %dma_start3A_988 : memref<1x64xi32, #tpu.memory_space<vmem>> -> memref<64xi32, #tpu.memory_space<vmem>>
        %dma_start3A_990 = arith.constant 0 : i32
        %dma_start3A_991 = arith.constant 0 : i32
        %dma_start3A_992 = tpu.memref_slice %arg3[%dma_start3A_990, %dma_start3A_991] : memref<100000x128xf32, #tpu.memory_space<hbm>> -> memref<100000x128xf32, #tpu.memory_space<hbm>>
        tpu.enqueue_indirect_dma source(%dma_start3A_992 : memref<100000x128xf32, #tpu.memory_space<hbm>>) target(%arg9 : memref<64x128xf32, #tpu.memory_space<vmem>>) offsets(%dma_start3A_989 : memref<64xi32, #tpu.memory_space<vmem>>) semaphore(%arg14 : memref<!tpu.dma_semaphore, #tpu.memory_space<semaphore_mem>>)
        %add3A_993 = arith.constant 4 : i32
        %add3A_994 = arith.addi %mul3A_91, %add3A_993 : i32
        %jit3A_995 = arith.constant 2 : i32
        %div3A_996 = arith.divsi %add3A_994, %jit3A_995 : i32
        %sign3A_997 = arith.constant 0 : i32
        %sign3A_998 = arith.cmpi sgt, %add3A_994, %sign3A_997 : i32
        %sign3A_999 = arith.extui %sign3A_998 : i1 to i32
        %sign3A_1000 = arith.constant 0 : i32
        %sign3A_1001 = arith.cmpi slt, %add3A_994, %sign3A_1000 : i32
        %sign3A_1002 = arith.extui %sign3A_1001 : i1 to i32
        %sign3A_1003 = arith.subi %sign3A_999, %sign3A_1002 : i32
        %sign3A_1004 = arith.constant 0 : i32
        %sign3A_1005 = arith.cmpi sgt, %jit3A_995, %sign3A_1004 : i32
        %sign3A_1006 = arith.extui %sign3A_1005 : i1 to i32
        %sign3A_1007 = arith.constant 0 : i32
        %sign3A_1008 = arith.cmpi slt, %jit3A_995, %sign3A_1007 : i32
        %sign3A_1009 = arith.extui %sign3A_1008 : i1 to i32
        %sign3A_1010 = arith.subi %sign3A_1006, %sign3A_1009 : i32
        %ne3A_1011 = arith.cmpi ne, %sign3A_1003, %sign3A_1010 : i32
        %rem3A_1012 = arith.remsi %add3A_994, %jit3A_995 : i32
        %ne3A_1013 = arith.constant 0 : i32
        %ne3A_1014 = arith.cmpi ne, %rem3A_1012, %ne3A_1013 : i32
        %and3A_1015 = arith.andi %ne3A_1011, %ne3A_1014 : i1
        %sub3A_1016 = arith.constant 1 : i32
        %sub3A_1017 = arith.subi %div3A_996, %sub3A_1016 : i32
        %select_n3A_1018 = arith.select %and3A_1015, %sub3A_1017, %div3A_996 : i32
        %jit3A_1019 = arith.constant 2 : i32
        %eq3A_1020 = arith.constant 0 : i32
        %eq3A_1021 = arith.cmpi eq, %jit3A_1019, %eq3A_1020 : i32
        %jit3A_1022 = arith.constant 1 : i32
        %select_n3A_1023 = arith.select %eq3A_1021, %jit3A_1022, %jit3A_1019 : i32
        %rem3A_1024 = arith.remsi %add3A_994, %select_n3A_1023 : i32
        %ne3A_1025 = arith.constant 0 : i32
        %ne3A_1026 = arith.cmpi ne, %rem3A_1024, %ne3A_1025 : i32
        %lt3A_1027 = arith.constant 0 : i32
        %lt3A_1028 = arith.cmpi slt, %rem3A_1024, %lt3A_1027 : i32
        %lt3A_1029 = arith.constant 0 : i32
        %lt3A_1030 = arith.cmpi slt, %select_n3A_1023, %lt3A_1029 : i32
        %ne3A_1031 = arith.xori %lt3A_1028, %lt3A_1030 : i1
        %and3A_1032 = arith.andi %ne3A_1031, %ne3A_1026 : i1
        %add3A_1033 = arith.addi %rem3A_1024, %select_n3A_1023 : i32
        %select_n3A_1034 = arith.select %and3A_1032, %add3A_1033, %rem3A_1024 : i32
        %mul3A_1035 = arith.constant 64 : i32
        %mul3A_1036 = arith.muli %select_n3A_1034, %mul3A_1035 : i32
        %add3A_1037 = arith.addi %mul3A_2, %mul3A_1036 : i32
        %dma_wait3A_1038 = arith.constant 0 : i32
        %dma_wait3A_1039 = tpu.memref_slice %arg4[%select_n3A_1018, %add3A_1037, %dma_wait3A_1038] : memref<50x4096x128xf32, #tpu.memory_space<hbm>> -> memref<1x64x128xf32, #tpu.memory_space<hbm>>
        %dma_wait3A_1040 = tpu.memref_squeeze %dma_wait3A_1039 : memref<1x64x128xf32, #tpu.memory_space<hbm>> -> memref<64x128xf32, #tpu.memory_space<hbm>>
        %dma_wait3A_1041 = arith.constant 0 : i32
        %dma_wait3A_1042 = tpu.memref_slice %arg4[%select_n3A_1018, %add3A_1037, %dma_wait3A_1041] : memref<50x4096x128xf32, #tpu.memory_space<hbm>> -> memref<1x64x128xf32, #tpu.memory_space<hbm>>
        %dma_wait3A_1043 = tpu.memref_squeeze %dma_wait3A_1042 : memref<1x64x128xf32, #tpu.memory_space<hbm>> -> memref<64x128xf32, #tpu.memory_space<hbm>>
        tpu.wait_dma2 semaphore(%arg20 : memref<!tpu.dma_semaphore, #tpu.memory_space<semaphore_mem>>) src(%arg10 : memref<64x128xf32, #tpu.memory_space<vmem>>) dst(%dma_wait3A_1043 : memref<64x128xf32, #tpu.memory_space<hbm>>)
        %add3A_1044 = arith.constant 5 : i32
        %add3A_1045 = arith.addi %mul3A_91, %add3A_1044 : i32
        %add3A_1046 = arith.constant 4 : i32
        %add3A_1047 = arith.addi %add3A_1045, %add3A_1046 : i32
        %jit3A_1048 = arith.constant 2 : i32
        %div3A_1049 = arith.divsi %add3A_1047, %jit3A_1048 : i32
        %sign3A_1050 = arith.constant 0 : i32
        %sign3A_1051 = arith.cmpi sgt, %add3A_1047, %sign3A_1050 : i32
        %sign3A_1052 = arith.extui %sign3A_1051 : i1 to i32
        %sign3A_1053 = arith.constant 0 : i32
        %sign3A_1054 = arith.cmpi slt, %add3A_1047, %sign3A_1053 : i32
        %sign3A_1055 = arith.extui %sign3A_1054 : i1 to i32
        %sign3A_1056 = arith.subi %sign3A_1052, %sign3A_1055 : i32
        %sign3A_1057 = arith.constant 0 : i32
        %sign3A_1058 = arith.cmpi sgt, %jit3A_1048, %sign3A_1057 : i32
        %sign3A_1059 = arith.extui %sign3A_1058 : i1 to i32
        %sign3A_1060 = arith.constant 0 : i32
        %sign3A_1061 = arith.cmpi slt, %jit3A_1048, %sign3A_1060 : i32
        %sign3A_1062 = arith.extui %sign3A_1061 : i1 to i32
        %sign3A_1063 = arith.subi %sign3A_1059, %sign3A_1062 : i32
        %ne3A_1064 = arith.cmpi ne, %sign3A_1056, %sign3A_1063 : i32
        %rem3A_1065 = arith.remsi %add3A_1047, %jit3A_1048 : i32
        %ne3A_1066 = arith.constant 0 : i32
        %ne3A_1067 = arith.cmpi ne, %rem3A_1065, %ne3A_1066 : i32
        %and3A_1068 = arith.andi %ne3A_1064, %ne3A_1067 : i1
        %sub3A_1069 = arith.constant 1 : i32
        %sub3A_1070 = arith.subi %div3A_1049, %sub3A_1069 : i32
        %select_n3A_1071 = arith.select %and3A_1068, %sub3A_1070, %div3A_1049 : i32
        %jit3A_1072 = arith.constant 2 : i32
        %eq3A_1073 = arith.constant 0 : i32
        %eq3A_1074 = arith.cmpi eq, %jit3A_1072, %eq3A_1073 : i32
        %jit3A_1075 = arith.constant 1 : i32
        %select_n3A_1076 = arith.select %eq3A_1074, %jit3A_1075, %jit3A_1072 : i32
        %rem3A_1077 = arith.remsi %add3A_1047, %select_n3A_1076 : i32
        %ne3A_1078 = arith.constant 0 : i32
        %ne3A_1079 = arith.cmpi ne, %rem3A_1077, %ne3A_1078 : i32
        %lt3A_1080 = arith.constant 0 : i32
        %lt3A_1081 = arith.cmpi slt, %rem3A_1077, %lt3A_1080 : i32
        %lt3A_1082 = arith.constant 0 : i32
        %lt3A_1083 = arith.cmpi slt, %select_n3A_1076, %lt3A_1082 : i32
        %ne3A_1084 = arith.xori %lt3A_1081, %lt3A_1083 : i1
        %and3A_1085 = arith.andi %ne3A_1084, %ne3A_1079 : i1
        %add3A_1086 = arith.addi %rem3A_1077, %select_n3A_1076 : i32
        %select_n3A_1087 = arith.select %and3A_1085, %add3A_1086, %rem3A_1077 : i32
        %mul3A_1088 = arith.constant 64 : i32
        %mul3A_1089 = arith.muli %select_n3A_1087, %mul3A_1088 : i32
        %dma_start3A_1090 = tpu.memref_slice %arg5[%select_n3A_1071, %mul3A_1089] : memref<50x128xi32, #tpu.memory_space<vmem>> -> memref<1x64xi32, #tpu.memory_space<vmem>>
        %dma_start3A_1091 = tpu.memref_squeeze %dma_start3A_1090 : memref<1x64xi32, #tpu.memory_space<vmem>> -> memref<64xi32, #tpu.memory_space<vmem>>
        %dma_start3A_1092 = arith.constant 0 : i32
        %dma_start3A_1093 = arith.constant 0 : i32
        %dma_start3A_1094 = tpu.memref_slice %arg3[%dma_start3A_1092, %dma_start3A_1093] : memref<100000x128xf32, #tpu.memory_space<hbm>> -> memref<100000x128xf32, #tpu.memory_space<hbm>>
        tpu.enqueue_indirect_dma source(%dma_start3A_1094 : memref<100000x128xf32, #tpu.memory_space<hbm>>) target(%arg10 : memref<64x128xf32, #tpu.memory_space<vmem>>) offsets(%dma_start3A_1091 : memref<64xi32, #tpu.memory_space<vmem>>) semaphore(%arg15 : memref<!tpu.dma_semaphore, #tpu.memory_space<semaphore_mem>>)
      } else {
      }
    }
    %scan3A_40 = arith.constant 20 : i32
    %add3A_41 = arith.constant 64 : i32
    %add3A_42 = arith.addi %mul3A_2, %add3A_41 : i32
    %dma_wait3A = arith.constant 47 : i32
    %dma_wait3A_43 = arith.constant 0 : i32
    %dma_wait3A_44 = tpu.memref_slice %arg4[%dma_wait3A, %add3A_42, %dma_wait3A_43] : memref<50x4096x128xf32, #tpu.memory_space<hbm>> -> memref<1x64x128xf32, #tpu.memory_space<hbm>>
    %dma_wait3A_45 = tpu.memref_squeeze %dma_wait3A_44 : memref<1x64x128xf32, #tpu.memory_space<hbm>> -> memref<64x128xf32, #tpu.memory_space<hbm>>
    %dma_wait3A_46 = arith.constant 0 : i32
    %dma_wait3A_47 = tpu.memref_slice %arg4[%dma_wait3A, %add3A_42, %dma_wait3A_46] : memref<50x4096x128xf32, #tpu.memory_space<hbm>> -> memref<1x64x128xf32, #tpu.memory_space<hbm>>
    %dma_wait3A_48 = tpu.memref_squeeze %dma_wait3A_47 : memref<1x64x128xf32, #tpu.memory_space<hbm>> -> memref<64x128xf32, #tpu.memory_space<hbm>>
    tpu.wait_dma2 semaphore(%arg16 : memref<!tpu.dma_semaphore, #tpu.memory_space<semaphore_mem>>) src(%arg6 : memref<64x128xf32, #tpu.memory_space<vmem>>) dst(%dma_wait3A_48 : memref<64x128xf32, #tpu.memory_space<hbm>>)
    %add3A_49 = arith.constant 0 : i32
    %add3A_50 = arith.addi %mul3A_2, %add3A_49 : i32
    %dma_wait3A_51 = arith.constant 48 : i32
    %dma_wait3A_52 = arith.constant 0 : i32
    %dma_wait3A_53 = tpu.memref_slice %arg4[%dma_wait3A_51, %add3A_50, %dma_wait3A_52] : memref<50x4096x128xf32, #tpu.memory_space<hbm>> -> memref<1x64x128xf32, #tpu.memory_space<hbm>>
    %dma_wait3A_54 = tpu.memref_squeeze %dma_wait3A_53 : memref<1x64x128xf32, #tpu.memory_space<hbm>> -> memref<64x128xf32, #tpu.memory_space<hbm>>
    %dma_wait3A_55 = arith.constant 0 : i32
    %dma_wait3A_56 = tpu.memref_slice %arg4[%dma_wait3A_51, %add3A_50, %dma_wait3A_55] : memref<50x4096x128xf32, #tpu.memory_space<hbm>> -> memref<1x64x128xf32, #tpu.memory_space<hbm>>
    %dma_wait3A_57 = tpu.memref_squeeze %dma_wait3A_56 : memref<1x64x128xf32, #tpu.memory_space<hbm>> -> memref<64x128xf32, #tpu.memory_space<hbm>>
    tpu.wait_dma2 semaphore(%arg17 : memref<!tpu.dma_semaphore, #tpu.memory_space<semaphore_mem>>) src(%arg7 : memref<64x128xf32, #tpu.memory_space<vmem>>) dst(%dma_wait3A_57 : memref<64x128xf32, #tpu.memory_space<hbm>>)
    %add3A_58 = arith.constant 64 : i32
    %add3A_59 = arith.addi %mul3A_2, %add3A_58 : i32
    %dma_wait3A_60 = arith.constant 48 : i32
    %dma_wait3A_61 = arith.constant 0 : i32
    %dma_wait3A_62 = tpu.memref_slice %arg4[%dma_wait3A_60, %add3A_59, %dma_wait3A_61] : memref<50x4096x128xf32, #tpu.memory_space<hbm>> -> memref<1x64x128xf32, #tpu.memory_space<hbm>>
    %dma_wait3A_63 = tpu.memref_squeeze %dma_wait3A_62 : memref<1x64x128xf32, #tpu.memory_space<hbm>> -> memref<64x128xf32, #tpu.memory_space<hbm>>
    %dma_wait3A_64 = arith.constant 0 : i32
    %dma_wait3A_65 = tpu.memref_slice %arg4[%dma_wait3A_60, %add3A_59, %dma_wait3A_64] : memref<50x4096x128xf32, #tpu.memory_space<hbm>> -> memref<1x64x128xf32, #tpu.memory_space<hbm>>
    %dma_wait3A_66 = tpu.memref_squeeze %dma_wait3A_65 : memref<1x64x128xf32, #tpu.memory_space<hbm>> -> memref<64x128xf32, #tpu.memory_space<hbm>>
    tpu.wait_dma2 semaphore(%arg18 : memref<!tpu.dma_semaphore, #tpu.memory_space<semaphore_mem>>) src(%arg8 : memref<64x128xf32, #tpu.memory_space<vmem>>) dst(%dma_wait3A_66 : memref<64x128xf32, #tpu.memory_space<hbm>>)
    %add3A_67 = arith.constant 0 : i32
    %add3A_68 = arith.addi %mul3A_2, %add3A_67 : i32
    %dma_wait3A_69 = arith.constant 49 : i32
    %dma_wait3A_70 = arith.constant 0 : i32
    %dma_wait3A_71 = tpu.memref_slice %arg4[%dma_wait3A_69, %add3A_68, %dma_wait3A_70] : memref<50x4096x128xf32, #tpu.memory_space<hbm>> -> memref<1x64x128xf32, #tpu.memory_space<hbm>>
    %dma_wait3A_72 = tpu.memref_squeeze %dma_wait3A_71 : memref<1x64x128xf32, #tpu.memory_space<hbm>> -> memref<64x128xf32, #tpu.memory_space<hbm>>
    %dma_wait3A_73 = arith.constant 0 : i32
    %dma_wait3A_74 = tpu.memref_slice %arg4[%dma_wait3A_69, %add3A_68, %dma_wait3A_73] : memref<50x4096x128xf32, #tpu.memory_space<hbm>> -> memref<1x64x128xf32, #tpu.memory_space<hbm>>
    %dma_wait3A_75 = tpu.memref_squeeze %dma_wait3A_74 : memref<1x64x128xf32, #tpu.memory_space<hbm>> -> memref<64x128xf32, #tpu.memory_space<hbm>>
    tpu.wait_dma2 semaphore(%arg19 : memref<!tpu.dma_semaphore, #tpu.memory_space<semaphore_mem>>) src(%arg9 : memref<64x128xf32, #tpu.memory_space<vmem>>) dst(%dma_wait3A_75 : memref<64x128xf32, #tpu.memory_space<hbm>>)
    %add3A_76 = arith.constant 64 : i32
    %add3A_77 = arith.addi %mul3A_2, %add3A_76 : i32
    %dma_wait3A_78 = arith.constant 49 : i32
    %dma_wait3A_79 = arith.constant 0 : i32
    %dma_wait3A_80 = tpu.memref_slice %arg4[%dma_wait3A_78, %add3A_77, %dma_wait3A_79] : memref<50x4096x128xf32, #tpu.memory_space<hbm>> -> memref<1x64x128xf32, #tpu.memory_space<hbm>>
    %dma_wait3A_81 = tpu.memref_squeeze %dma_wait3A_80 : memref<1x64x128xf32, #tpu.memory_space<hbm>> -> memref<64x128xf32, #tpu.memory_space<hbm>>
    %dma_wait3A_82 = arith.constant 0 : i32
    %dma_wait3A_83 = tpu.memref_slice %arg4[%dma_wait3A_78, %add3A_77, %dma_wait3A_82] : memref<50x4096x128xf32, #tpu.memory_space<hbm>> -> memref<1x64x128xf32, #tpu.memory_space<hbm>>
    %dma_wait3A_84 = tpu.memref_squeeze %dma_wait3A_83 : memref<1x64x128xf32, #tpu.memory_space<hbm>> -> memref<64x128xf32, #tpu.memory_space<hbm>>
    tpu.wait_dma2 semaphore(%arg20 : memref<!tpu.dma_semaphore, #tpu.memory_space<semaphore_mem>>) src(%arg10 : memref<64x128xf32, #tpu.memory_space<vmem>>) dst(%dma_wait3A_84 : memref<64x128xf32, #tpu.memory_space<hbm>>)
    return
  }
}

</mosaic_0001>

<sc_bundles>
// kernel: kernel.3.cloned.1.call-start
scs
__scs_entry_jumppad:
0x0: {  	(pc) =	sbr.rel $0x88, $3  }
0x1: {  	(tag) =	ssettag $0x0;
	lr =	simm.s32 $0x1  }
0x2: {  	[smem:$0x3F9F] =	sst lr;
	_ =	strace $0xD0000000  }
0x3: {  	_ = 	snop  }
0x4: {  	_ = 	snop  }
0x5: {  	_ = 	snop  }
0x6: {  	_ = 	snop  }
0x7: {  	_ = 	snop  }
__scs_overlays_trampoline_lowered:
0x8: {  	[smem:$0x3FAE] =	sst s0  }
0x9: {  	[smem:$0x3FAF] =	sst s1  }
0xa: {  	[smem:$0x3FB0] =	sst s2  }
0xb: {  	[smem:$0x3FB1] =	sst s3  }
0xc: {  	[smem:$0x3FB2] =	sst s4  }
0xd: {  	[smem:$0x3FB3] =	sst s5  }
0xe: {  	[smem:$0x3FB4] =	sst s6  }
0xf: {  	[smem:$0x3FB5] =	sst s7  }
0x10: {  	[smem:$0x3FB6] =	sst s8  }
0x11: {  	[smem:$0x3FB7] =	sst s9;
	s0 =	simm.s32 @!p0 $0x0  }
0x12: {  	s1 =	sld [smem:$0x3F9D];
	s0 =	simm.s32 @p0 $0x1  }
0x13: {  	[smem:$0x3FB8] =	sst s0;
	s0 =	simm.s32 @!p1 $0x0  }
0x14: {  	s2 =	sld [smem:$0x3F9C];
	s0 =	simm.s32 @p1 $0x1  }
0x15: {  	[smem:$0x3FB9] =	sst s0;
	s0 =	simm.s32 @!p2 $0x0  }
0x16: {  	s3 =	sld [smem:$0x3FDB];
	s0 =	simm.s32 @p2 $0x1  }
0x17: {  	s4 =	simm.s32 $0x1BF5;
	[smem:$0x3FBB] =	sst s0  }
0x18: {  	s0 =	sld [smem:$0x3F9E];
	_ =	swait.ge [sflag:s4], $0x0  }
0x19: {  	s7 =	sld [smem:$0x3F9F]  }
0x1a: {  	s8 =	sadd.s32 $0xFFFFE003, lr  }
0x1b: {  	s9 =	sadd.s32 $0xFFFFFEF7, lr;
	s5 =	simm.s32 $0xFFFFFFFF;
	p2 =	slt.u32 s8, $0xFFFFF086  }
0x1c: {  	p1 =	slt.u32 s9, $0xF7A;
	s5 =	simm.s32 @!p2 $0x0  }
0x1d: {  	s5 =	simm.s32 @p1 $0x1;
	p0 =	seq.s32 s7, s2  }
0x1e: {  	s7 =	smul.u32 @!p0 $0xF7A, s2;
	p2 =	seq.s32 @!p0 s5, $0x0  }
0x1f: {  	s9 =	smul.u32 $0xF7A, s1;
	s8 =	simm.s32 @!p0 $0x1BF5;
	p2 =	por !p2, p0  }
0x20: {  	[sflag:s8] =	ssyncset.s32 @!p0 $0xFFFFF086;
	s6 =	sadd.s32 @!p0 s3, s7;
	s7 =	simm.s32 @!p0 $0x108  }
0x21: {  	s3 =	sadd.s32 s3, s9;
	s6 =	sadd.s32 @!p0 $0x88, s6;
	s7 =	simm.s32 @p2 $0x1082  }
0x22: {  	[simem:s7], [sflag:s8] =	dma.local @!p0 [hbm:s6], $0xF7A  }
0x23: {  	s9 =	sor.u32 $0xD0000000, s2;
	s6 =	simm.s32 $0x108;
	_ =	swait.ge @!p0 [sflag:s8], $0x0  }
0x24: {  	s3 =	sadd.s32 $0x88, s3;
	s6 =	simm.s32 @!p1 $0x1082;
	[sflag:s4] =	ssyncset.s32 $0xFFFFF086  }
0x25: {  	[simem:s6], [sflag:s4] =	dma.local [hbm:s3], $0xF7A  }
0x26: {  	[smem:$0x3F9F] =	sst s1;
	(tag) =	ssettag s2;
	_ =	strace s9  }
0x27: {  	s1 =	sld [smem:$0x3FAF]  }
0x28: {  	s2 =	sld [smem:$0x3FB0]  }
0x29: {  	s4 =	sld [smem:$0x3FB2]  }
0x2a: {  	p0 =	seq.s32 s5, $0x0;
	s5 =	sld [smem:$0x3FB3]  }
0x2b: {  	s6 =	sld [smem:$0x3FB4]  }
0x2c: {  	s7 =	sld [smem:$0x3FB5]  }
0x2d: {  	s3 =	simm.s32 $0x108;
	s8 =	sld [smem:$0x3FB6]  }
0x2e: {  	s3 =	simm.s32 @!p0 $0x1082;
	s9 =	sld [smem:$0x3FB7]  }
0x2f: {  	lr =	sadd.s32 s0, s3;
	s0 =	sld [smem:$0x3FAE]  }
0x30: {  	s3 =	sld [smem:$0x3FB1]  }
0x31: {  	[smem:$0x3FBA] =	sst s10  }
0x32: {  	s10 =	sld [smem:$0x3FB8];
	_ =	sdelay $0x3  }
0x33: {  	p0 =	seq.s32 s10, $0x1;
	s10 =	sld [smem:$0x3FBA];
	_ =	sdelay $0x3  }
0x34: {  	[smem:$0x3FBA] =	sst s10  }
0x35: {  	s10 =	sld [smem:$0x3FB9];
	_ =	sdelay $0x3  }
0x36: {  	p1 =	seq.s32 s10, $0x1;
	s10 =	sld [smem:$0x3FBA];
	_ =	sdelay $0x3  }
0x37: {  	[smem:$0x3FBA] =	sst s10  }
0x38: {  	s10 =	sld [smem:$0x3FBB]  }
0x39: {  	_ = 	snop;
	(pc) =	sbr.ind lr, $3  }
0x3a: {  	_ = 	snop  }
0x3b: {  	_ = 	snop  }
0x3c: {  	p2 =	seq.s32 s10, $0x1;
	s10 =	sld [smem:$0x3FBA]  }
0x3d: {  	_ =	shalt  }
0x3e: {  	_ =	shalt  }
0x3f: {  	_ =	shalt  }
0x40: {  	_ =	shalt  }
0x41: {  	_ =	shalt  }
0x42: {  	_ =	shalt  }
0x43: {  	_ =	shalt  }
0x44: {  	_ =	shalt  }
0x45: {  	_ =	shalt  }
0x46: {  	_ =	shalt  }
0x47: {  	_ =	shalt  }
0x48: {  	_ =	shalt  }
0x49: {  	_ =	shalt  }
0x4a: {  	_ =	shalt  }
0x4b: {  	_ =	shalt  }
0x4c: {  	_ =	shalt  }
0x4d: {  	_ =	shalt  }
0x4e: {  	_ =	shalt  }
0x4f: {  	_ =	shalt  }
0x50: {  	_ =	shalt  }
0x51: {  	_ =	shalt  }
0x52: {  	_ =	shalt  }
0x53: {  	_ =	shalt  }
0x54: {  	_ =	shalt  }
0x55: {  	_ =	shalt  }
0x56: {  	_ =	shalt  }
0x57: {  	_ =	shalt  }
0x58: {  	_ =	shalt  }
0x59: {  	_ =	shalt  }
0x5a: {  	_ =	shalt  }
0x5b: {  	_ =	shalt  }
0x5c: {  	_ =	shalt  }
0x5d: {  	_ =	shalt  }
0x5e: {  	_ =	shalt  }
0x5f: {  	_ =	shalt  }
0x60: {  	_ =	shalt  }
0x61: {  	_ =	shalt  }
0x62: {  	_ =	shalt  }
0x63: {  	_ =	shalt  }
0x64: {  	_ =	shalt  }
0x65: {  	_ =	shalt  }
0x66: {  	_ =	shalt  }
0x67: {  	_ =	shalt  }
0x68: {  	_ =	shalt  }
0x69: {  	_ =	shalt  }
0x6a: {  	_ =	shalt  }
0x6b: {  	_ =	shalt  }
0x6c: {  	_ =	shalt  }
0x6d: {  	_ =	shalt  }
0x6e: {  	_ =	shalt  }
0x6f: {  	_ =	shalt  }
0x70: {  	_ =	shalt  }
0x71: {  	_ =	shalt  }
0x72: {  	_ =	shalt  }
0x73: {  	_ =	shalt  }
0x74: {  	_ =	shalt  }
0x75: {  	_ =	shalt  }
0x76: {  	_ =	shalt  }
0x77: {  	_ =	shalt  }
0x78: {  	_ =	shalt  }
0x79: {  	_ =	shalt  }
0x7a: {  	_ =	shalt  }
0x7b: {  	_ =	shalt  }
0x7c: {  	_ =	shalt  }
0x7d: {  	_ =	shalt  }
0x7e: {  	_ =	shalt  }
0x7f: {  	_ =	shalt  }
0x80: {  	_ =	shalt  }
0x81: {  	_ =	shalt  }
0x82: {  	_ =	shalt  }
0x83: {  	_ =	shalt  }
0x84: {  	_ =	shalt  }
0x85: {  	_ =	shalt  }
0x86: {  	_ =	shalt  }
0x87: {  	_ =	shalt  }
.Lfunc_end0:
.L_simem_size_0:
called_computation_lowered:
.L_overlay_start_0:
0x88: {  	s2 =	sld [smem:$0x3FD9]  }
0x89: {  	s3 =	sld [smem:$0x3FFE];
	_ =	sdelay $0x1  }
0x8a: {  	s1 =	srdreg.scid  }
0x8b: {  	s0 =	sand.u32 $0x1, s1  }
0x8c: {  	s18 =	sshll.u32 s0, $0xA;
	s2 =	sadd.s32 s3, s2  }
0x8d: {  	s2 =	sadd.s32 s2, s18  }
0x8e: {  	[smem:$0x3FC6] =	sst s2  }
0x8f: {  	_ = 	snop  }
0x90: {  	s2 =	sld [smem:$0x3FC9]  }
0x91: {  	s19 =	sld [smem:$0x3FC8]  }
0x92: {  	s4 =	sld [smem:$0x3FD0];
	(tm) =	ssettm $0x1  }
0x93: {  	s5 =	sld [smem:$0x3FFB];
	_ =	sdelay $0x3  }
0x94: {  	_ =	strace s5  }
0x95: {  	s5 =	sld [smem:$0x3FFC];
	_ =	sdelay $0x3  }
0x96: {  	_ =	strace s5  }
0x97: {  	s5 =	sld [smem:$0x3FFD];
	_ =	sdelay $0x3  }
0x98: {  	_ =	strace s5  }
0x99: {  	_ =	strace $0x8FFFFFFF  }
0x9a: {  	s20 =	sld [smem:$0x3FDB];
	_ =	sdelay $0x1  }
0x9b: {  	s6 =	simm.s32 $_scs_section_size  }
0x9c: {  	s7 =	simm.s32 $_size__tile_overlayer_lowered;
	s8 =	simm.s32 $_tile_overlayer_lowered  }
0x9d: {  	s23 =	simm.s32 $0x1BFF;
	s22 =	sshll.u32 s8, $0x1;
	s5 =	sadd.s32 s6, s20  }
0x9e: {  	s9 =	simm.s32 $0x0;
	s21 =	sshll.u32 s7, $0x1;
	s7 =	sadd.s32 s22, s5  }
0x9f: {  	[timem:s9], [sflag:s23] =	dma.local [hbm:s7], s21  }
0xa0: {  	_ =	swait.ge [sflag:s23], s21  }
0xa1: {  	s6 =	ssub.s32 $0x0, s21;
	[sflag:s23] =	ssyncset.done $0x0  }
0xa2: {  	[sflag:s23] =	ssyncadd.s32 s6;
	_ =	sdelay $0x1  }
0xa3: {  	s24 =	simm.s32 $0x1B8B  }
0xa4: {  	_ =	swait.ge [sflag:s24], $0x1  }
0xa5: {  	[sflag:s24] =	ssyncset.done $0x0  }
0xa6: {  	s25 =	simm.s32 $0x1B8E;
	[sflag:s24] =	ssyncadd.s32 $0xFFFFFFFF  }
0xa7: {  	s26 =	simm.s32 $execute0_lowered;
	[smem:$0x3FD2] =	sst s25  }
0xa8: {  	s6 =	sshll.u32 s26, $0x1;
	_ =	strace $0x80000046;
	[dreg:$0x1] =	wrdreg $0xFFFFFFFF  }
0xa9: {  	s28 =	simm.s32 $_size_execute0_lowered;
	s5 =	sadd.s32 s5, s6;
	[dreg:$0x0] =	wrdreg $0x0  }
0xaa: {  	s6 =	sshll.u32 s28, $0x1;
	[dreg:$0x2] =	wrdreg s5  }
0xab: {  	[dreg:$0x3] =	wrdreg s6  }
0xac: {  	[dreg:$0x4] =	wrdreg $0xC0  }
0xad: {  	_ =	task [dreg:s9], $0x5FFFF  }
0xae: {  	[dreg:$0x1] =	wrdreg $0xFFFFFFFF  }
0xaf: {  	[dreg:$0x0] =	wrdreg $0x60  }
0xb0: {  	[dreg:$0x2] =	wrdreg s2  }
0xb1: {  	[dreg:$0x3] =	wrdreg s19  }
0xb2: {  	[dreg:$0x4] =	wrdreg s4  }
0xb3: {  	[dreg:$0x5] =	wrdreg $0x9  }
0xb4: {  	_ =	task.clear_ibuf [dreg:s9], $0x6FFFF;
	_ =	strace $0x90000046  }
0xb5: {  	s29 =	simm.s32 $0x9;
	_ =	strace $0x80000048  }
0xb6: {  	_ =	swait.ge [sflag:s29], $0x1  }
0xb7: {  	[sflag:s29] =	ssyncadd.s32 $0xFFFFFFFF  }
0xb8: {  	_ =	strace $0x90000048  }
0xb9: {  	_ =	sfence  }
0xba: {  	s30 =	sld [smem:$0x0];
	_ =	sdelay $0x2  }
0xbb: {  	s31 =	sshll.u32 s1, $0xD;
	s1 =	sshrl.u32 s1, $0x2  }
0xbc: {  	s3 =	sand.u32 $0x4000, s31;
	s1 =	sadd.s32 s1, s30  }
0xbd: {  	s0 =	sor.u32 s3, s0;
	s1 =	sshll.u32 s1, $0x11  }
0xbe: {  	s0 =	sor.u32 s1, s0  }
0xbf: {  	s0 =	sadd.s32 $0x8F2B, s0  }
0xc0: {  	[sflag:s0] =	ssyncadd.remote.s32 $0x1  }
0xc1: {  	_ =	sfence.sel $0xFFFF  }
0xc2: {  	[dreg:$0x0] =	wrdreg $0xFFFFFFFF;
	(pc) =	sbr.abs _section_cstart, $3  }
0xc3: {  	[dreg:$0x1] =	wrdreg $0xFFFFFFFF  }
0xc4: {  	_ =	task.clear_ibuf [dreg:s9], $0x2FFFF;
	_ =	strace $0x9FFFFFFF  }
0xc5: {  	(tm) =	ssettm $0x7FFFFFFF  }
tec
execute0_lowered:
.L_overlay_start_1:
0x0: {  	(tag) =	ssettag $0x1  }
0x1: {  	s0 =	rddreg [dreg:$0x0]  }
0x2: {  	s2 =	rddreg [dreg:$0x1]  }
0x3: {  	s3 =	rddreg [dreg:$0x2];
	s1 =	srdreg.scid  }
0x4: {  	s4 =	stileid.u32;
	s12 =	simm.s32 $0xB;
	s13 =	simm.s32 $0x40  }
0x5: {  	s14 =	simm.s32 $0x1C00;
	s15 =	simm.s32 $0x3C00;
	s17 =	simm.s32 $0x5C00  }
0x6: {  	s19 =	simm.s32 $0x7C00;
	s21 =	simm.s32 $0x9C00;
	s22 =	simm.s32 $0x1  }
0x7: {  	s23 =	simm.s32 $0x2;
	s24 =	simm.s32 $0x3;
	s28 =	simm.s32 $0x6  }
0x8: {  	s29 =	simm.s32 $0x7;
	s30 =	simm.s32 $0x8;
	s31 =	simm.s32 $0x9  }
0x9: {  	s1 =	sand.u32 $0x1, s1;
	s5 =	sshll.u32 s4, $0x8;
	s4 =	simm.s32 $0x0  }
0xa: {  	s6 =	ssub.s32 $0x2, s1;
	s1 =	sshll.u32 s1, $0x7;
	[smem:$0x7FF] =	sst s4  }
.Ltmp0:
0xb: {  	s7 =	sshrl.u32 s6, $0x1;
	s5 =	sor.u32 s1, s5;
	(pc) =	sbr.rel .LBB2_1-.Ltmp0, $4  }
0xc: {  	_ =	strace $0x80000047;
	s1 =	simm.s32 $0x0;
	s0 =	sadd.s32 s0, s5  }
0xd: {  	s25 =	ssub.s32 s6, s7;
	[dreg:$0x4] =	wrdreg s0;
	s0 =	sadd.s32 $0x6000, s0  }
0xe: {  	s26 =	smax.u32 s25, $0x1;
	s25 =	simm.s32 $0x4;
	[dreg:$0x5] =	wrdreg s0  }
0xf: {  	[dreg:$0x6] =	wrdreg s26;
	s26 =	simm.s32 $0x5;
	s0 =	simm.s32 $0xA  }
.LBB2_4:
0x10: {  	_ =	swait.ge [sflag:s29], $0x2000  }
0x11: {  	[sflag:s29] =	ssyncset.done $0x0  }
0x12: {  	[sflag:s29] =	ssyncadd.s32 $0xFFFFE000  }
0x13: {  	_ =	swait.ge [sflag:s30], $0x2000  }
0x14: {  	[sflag:s30] =	ssyncset.done $0x0  }
0x15: {  	[sflag:s30] =	ssyncadd.s32 $0xFFFFE000  }
0x16: {  	_ =	swait.ge [sflag:s31], $0x2000  }
0x17: {  	[sflag:s31] =	ssyncset.done $0x0  }
0x18: {  	[sflag:s31] =	ssyncadd.s32 $0xFFFFE000  }
0x19: {  	_ =	swait.ge [sflag:s0], $0x2000  }
0x1a: {  	s1 =	sadd.s32 $0x1, s1;
	s6 =	rddreg [dreg:$0x6]  }
0x1b: {  	p0 =	sne.s32 s1, s6  }
.Ltmp1:
0x1c: {  	_ = 	snop;
	(pc) =	sbr.rel @!p0 .LBB2_5-.Ltmp1, $3  }
0x1d: {  	_ =	sdelay $0x1  }
0x1e: {  	[sflag:s0] =	ssyncset.done $0x0  }
0x1f: {  	[sflag:s0] =	ssyncadd.s32 $0xFFFFE000  }
.LBB2_1:
0x20: {  	s6 =	rddreg [dreg:$0x4];
	s7 =	simm.s32 $0x400;
	s8 =	simm.s32 $0x8000  }
0x21: {  	[tilespmem:s4], [sflag:$0xB] =	stream.strided.gather [hbm4b:s6+s7], $0x1800, s8, s7, $0x38;
	[tilespmem:$0xBC00] =	vst v63  }
0x22: {  	s10 =	rddreg [dreg:$0x5];
	s11 =	simm.s32 $0x1800  }
0x23: {  	[tilespmem:s11], [sflag:$0xB] =	stream.linear.gather [hbm4b:s10+s4], $0x100, $0x38;
	[tilespmem:$0xBC00] =	vst v63  }
0x24: {  	_ =	swait.ge [sflag:s12], $0x1900  }
0x25: {  	[sflag:s12] =	ssyncset.done $0x0  }
0x26: {  	[sflag:s12] =	ssyncadd.s32 $0xFFFFE700  }
0x27: {  	[tilespmem:s14], [sflag:$0x1] =	stream.indirect.gather [hbm4b:s2+s13], $0x80, s4, s13, $0xb8;
	[tilespmem:$0xBC00] =	vst v63  }
0x28: {  	_ = 	snop  }
0x29: {  	[tilespmem:s15], [sflag:$0x2] =	stream.indirect.gather [hbm4b:s2+s13], $0x80, s13, s13, $0xb8;
	[tilespmem:$0xBC00] =	vst v63  }
0x2a: {  	s16 =	simm.s32 $0x80;
	s18 =	simm.s32 $0xC0  }
0x2b: {  	[tilespmem:s17], [sflag:$0x3] =	stream.indirect.gather [hbm4b:s2+s13], $0x80, s16, s13, $0xb8;
	[tilespmem:$0xBC00] =	vst v63  }
0x2c: {  	s20 =	simm.s32 $0x100;
	s9 =	simm.s32 $0x900;
	s10 =	simm.s32 $0x240  }
0x2d: {  	[tilespmem:s19], [sflag:$0x4] =	stream.indirect.gather [hbm4b:s2+s13], $0x80, s18, s13, $0xb8;
	[tilespmem:$0xBC00] =	vst v63  }
0x2e: {  	s11 =	simm.s32 $0x18000;
	s16 =	simm.s32 $0x100000;
	s18 =	simm.s32 $0x0  }
0x2f: {  	[tilespmem:s21], [sflag:$0x5] =	stream.indirect.gather [hbm4b:s2+s13], $0x80, s20, s13, $0xb8;
	[tilespmem:$0xBC00] =	vst v63  }
.LBB2_2:
0x30: {  	s20 =	sand.u32 $0x40, s18  }
0x31: {  	s7 =	sadd.s32 $0xFFF00000, s16;
	s8 =	sor.u32 s5, s20  }
0x32: {  	s7 =	sand.u32 $0x3F80000, s7;
	s8 =	sshll.u32 s8, $0x7  }
0x33: {  	_ =	swait.ge [sflag:s22], $0x2000;
	s7 =	sor.u32 s7, s8  }
0x34: {  	[sflag:s22] =	ssyncset.done $0x0;
	s7 =	sshrl.u32 s7, $0x3  }
0x35: {  	[sflag:s22] =	ssyncadd.s32 $0xFFFFE000;
	s7 =	sadd.s32 s3, s7  }
0x36: {  	[hbm4b:s7+s4] =	stream.linear.scatter [tilespmem:s14], [sflag:$0x6], $0x2000, $0x38;
	[tilespmem:$0xBC00] =	vst v63  }
0x37: {  	s7 =	sadd.s32 $0xFFFFFE00, s10  }
0x38: {  	s6 =	sadd.s32 $0xFFFF0000, s11;
	s7 =	sand.u32 $0x40, s7  }
0x39: {  	s6 =	sand.u32 $0xFF0000, s6;
	_ =	swait.ge [sflag:s23], $0x2000;
	s7 =	sor.u32 s5, s7  }
0x3a: {  	s6 =	sadd.s32 s3, s6;
	[sflag:s23] =	ssyncset.done $0x0;
	s7 =	sshll.u32 s7, $0x4  }
0x3b: {  	[sflag:s23] =	ssyncadd.s32 $0xFFFFE000;
	s6 =	sadd.s32 s7, s6;
	s7 =	sadd.s32 $0xFFF80000, s16  }
0x3c: {  	[hbm4b:s6+s4] =	stream.linear.scatter [tilespmem:s15], [sflag:$0x7], $0x2000, $0x38;
	[tilespmem:$0xBC00] =	vst v63  }
0x3d: {  	s6 =	sand.u32 $0x7F80000, s7  }
0x3e: {  	_ =	swait.ge [sflag:s24], $0x2000;
	s6 =	sor.u32 s6, s8  }
0x3f: {  	[sflag:s24] =	ssyncset.done $0x0;
	s6 =	sshrl.u32 s6, $0x3  }
0x40: {  	s7 =	sadd.s32 $0xFFFFFE80, s10;
	[sflag:s24] =	ssyncadd.s32 $0xFFFFE000;
	s6 =	sadd.s32 s3, s6  }
0x41: {  	[hbm4b:s6+s4] =	stream.linear.scatter [tilespmem:s17], [sflag:$0x8], $0x2000, $0x38;
	[tilespmem:$0xBC00] =	vst v63  }
0x42: {  	s6 =	sand.u32 $0x40, s7  }
0x43: {  	s7 =	sand.u32 $0xFF0000, s11;
	_ =	swait.ge [sflag:s25], $0x2000;
	s6 =	sor.u32 s5, s6  }
0x44: {  	s7 =	sadd.s32 s3, s7;
	[sflag:s25] =	ssyncset.done $0x0;
	s6 =	sshll.u32 s6, $0x4  }
0x45: {  	[sflag:s25] =	ssyncadd.s32 $0xFFFFE000;
	s6 =	sadd.s32 s6, s7;
	s7 =	sand.u32 $0x7F80000, s16  }
0x46: {  	[hbm4b:s6+s4] =	stream.linear.scatter [tilespmem:s19], [sflag:$0x9], $0x2000, $0x38;
	[tilespmem:$0xBC00] =	vst v63  }
0x47: {  	s6 =	sor.u32 s7, s8;
	_ =	swait.ge [sflag:s26], $0x2000  }
0x48: {  	p0 =	seq.s32 s9, $0x6800;
	s6 =	sshrl.u32 s6, $0x3;
	[sflag:s26] =	ssyncset.done $0x0  }
.Ltmp2:
0x49: {  	s6 =	sadd.s32 s3, s6;
	[sflag:s26] =	ssyncadd.s32 $0xFFFFE000;
	(pc) =	sbr.rel @p0 .LBB2_4-.Ltmp2, $4  }
0x4a: {  	[hbm4b:s6+s4] =	stream.linear.scatter [tilespmem:s21], [sflag:$0xA], $0x2000, $0x38;
	[tilespmem:$0xBC00] =	vst v63  }
0x4b: {  	_ =	swait.ge [sflag:s28], $0x2000  }
0x4c: {  	[sflag:s28] =	ssyncset.done $0x0  }
0x4d: {  	[sflag:s28] =	ssyncadd.s32 $0xFFFFE000  }
0x4e: {  	s6 =	sadd.s32 $0xFFFFFC00, s9  }
0x4f: {  	s7 =	sadd.s32 $0xFFFFFF00, s10;
	s6 =	sand.u32 $0x1FE00, s6  }
0x50: {  	s7 =	sand.u32 $0x40, s7;
	s6 =	sshrl.u32 s6, $0x2  }
0x51: {  	s8 =	sadd.s32 $0xFFFFFD00, s9;
	s6 =	sor.u32 s7, s6  }
0x52: {  	[tilespmem:s14], [sflag:$0x1] =	stream.indirect.gather [hbm4b:s2+s13], $0x80, s6, s13, $0xb8;
	[tilespmem:$0xBC00] =	vst v63  }
0x53: {  	s6 =	sand.u32 $0x1FE00, s8;
	_ =	swait.ge [sflag:s29], $0x2000  }
0x54: {  	s6 =	sshrl.u32 s6, $0x2;
	[sflag:s29] =	ssyncset.done $0x0  }
0x55: {  	s7 =	sadd.s32 $0xFFFFFE00, s9;
	s6 =	sor.u32 s20, s6;
	[sflag:s29] =	ssyncadd.s32 $0xFFFFE000  }
0x56: {  	[tilespmem:s15], [sflag:$0x2] =	stream.indirect.gather [hbm4b:s2+s13], $0x80, s6, s13, $0xb8;
	[tilespmem:$0xBC00] =	vst v63  }
0x57: {  	s8 =	sadd.s32 $0xFFFFFF80, s10;
	s6 =	sand.u32 $0x1FE00, s7;
	_ =	swait.ge [sflag:s30], $0x2000  }
0x58: {  	s7 =	sand.u32 $0x40, s8;
	s6 =	sshrl.u32 s6, $0x2;
	[sflag:s30] =	ssyncset.done $0x0  }
0x59: {  	s6 =	sor.u32 s7, s6;
	s7 =	sadd.s32 $0xFFFFFF00, s9;
	[sflag:s30] =	ssyncadd.s32 $0xFFFFE000  }
0x5a: {  	[tilespmem:s17], [sflag:$0x3] =	stream.indirect.gather [hbm4b:s2+s13], $0x80, s6, s13, $0xb8;
	[tilespmem:$0xBC00] =	vst v63  }
0x5b: {  	s6 =	sand.u32 $0x1FE00, s7;
	_ =	swait.ge [sflag:s31], $0x2000  }
0x5c: {  	s6 =	sshrl.u32 s6, $0x2;
	[sflag:s31] =	ssyncset.done $0x0  }
0x5d: {  	s11 =	sadd.s32 $0x28000, s11;
	s6 =	sor.u32 s20, s6;
	[sflag:s31] =	ssyncadd.s32 $0xFFFFE000  }
0x5e: {  	[tilespmem:s19], [sflag:$0x4] =	stream.indirect.gather [hbm4b:s2+s13], $0x80, s6, s13, $0xb8;
	[tilespmem:$0xBC00] =	vst v63  }
.Ltmp3:
0x5f: {  	s18 =	sadd.s32 $0x40, s18;
	s16 =	sadd.s32 $0x140000, s16;
	(pc) =	sbr.rel .LBB2_2-.Ltmp3, $4  }
0x60: {  	s8 =	sand.u32 $0x1FE00, s9;
	s9 =	sadd.s32 $0x500, s9;
	_ =	swait.ge [sflag:s0], $0x2000  }
0x61: {  	s20 =	sand.u32 $0x40, s10;
	s6 =	sshrl.u32 s8, $0x2;
	[sflag:s0] =	ssyncset.done $0x0  }
0x62: {  	s10 =	sadd.s32 $0x140, s10;
	s6 =	sor.u32 s20, s6;
	[sflag:s0] =	ssyncadd.s32 $0xFFFFE000  }
0x63: {  	[tilespmem:s21], [sflag:$0x5] =	stream.indirect.gather [hbm4b:s2+s13], $0x80, s6, s13, $0xb8;
	[tilespmem:$0xBC00] =	vst v63  }
.LBB2_5:
0x64: {  	_ =	sfence.sel $0x180000  }
0x65: {  	[bflag:$0x0] =	sbarrier.arrive $0xFFFF  }
0x66: {  	_ =	strace $0x90000047  }
0x67: {  	s0 =	stileid.u32;
	[bflag:$0x2] =	sbarrier.arrive $0xFFFF  }
0x68: {  	p0 =	sne.s32 s0, $0x0;
	s0 =	rddreg [dreg:$0x3]  }
0x69: {  	s0 =	sadd.s32 @!p0 $0x100000, s0  }
0x6a: {  	[sflag:s0] =	ssyncadd.tile.s32 @!p0 $0x1;
	_ =	shalt  }
.Lfunc_end2:
_tile_overlayer_lowered:
.L_overlay_start_2:
0x6b: {  	(tag) =	ssettag $0x2  }
0x6c: {  	s0 =	rddreg [dreg:$0x0];
	s2 =	stileid.u32  }
0x6d: {  	s1 =	rddreg [dreg:$0x1];
	p0 =	sne.s32 s2, $0x0  }
0x6e: {  	s3 =	rddreg [dreg:$0x2];
	[bflag:$0x3] =	sbarrier.arrive $0xFFFF;
	s2 =	simm.s32 @!p0 $0x1C0B  }
0x6f: {  	[timem:s3], [sflag:s2] =	dma.local @!p0 [hbm:s0], s1  }
0x70: {  	s0 =	simm.s32 @!p0 $0xB  }
0x71: {  	_ =	swait.ge @!p0 [sflag:s0], s1  }
0x72: {  	s1 =	ssub.s32 @!p0 $0x0, s1;
	[sflag:s0] =	ssyncset.done @!p0 $0x0  }
0x73: {  	[sflag:s0] =	ssyncadd.s32 @!p0 s1  }
0x74: {  	[bflag:$0x3] =	sbarrier.arrive $0xFFFF  }
0x75: {  	_ =	shalt  }

</sc_bundles>
